<compile_context>
chip_gen: v7x
topology: tpu7x:2x2x1
jax: 0.10.2.dev20260603
libtpu: 0.0.44.dev20260713+nightly
codegen_flags: <defaults>
</compile_context>

<pallas_src>
import functools

import jax
import jax.numpy as jnp
from jax import lax
from jax.experimental import pallas as pl
from jax.experimental.pallas import tpu as pltpu
from jax.experimental.pallas import tpu_sc as plsc

ED = 64
DM = 128
BQ, BS, NNBR = 1024, 64, 50
NE = 4 * BQ + 4 * BS
PAD_ID = 1000000
NBR_ROWS = NE * NNBR * 2
SELF_PAD = 8192

_NC, _NS = 2, 16
_NW = _NC * _NS
_EPW = NE // _NW
_EPS = 8
_NSC = _EPW // _EPS
_IDS = 2 * NNBR
_SROWS = _EPS * _IDS
_SELF_CH = SELF_PAD // _NW // 128


def _gather_all(table, idx4d, idx_self):
    mesh = plsc.VectorSubcoreMesh(
        core_axis_name="c", subcore_axis_name="s",
        num_cores=_NC, num_subcores=_NS)

    @functools.partial(
        pl.kernel,
        out_type=(
            jax.ShapeDtypeStruct((NBR_ROWS, ED), jnp.float32),
            jax.ShapeDtypeStruct((SELF_PAD, ED), jnp.float32),
        ),
        mesh=mesh,
        scratch_types=[
            pltpu.VMEM((_EPS, _IDS), jnp.int32),
            pltpu.VMEM((_EPS, _IDS), jnp.int32),
            pltpu.VMEM((_SELF_CH, 128), jnp.int32),
            pltpu.VMEM((_SROWS, ED), jnp.float32),
            pltpu.VMEM((_SROWS, ED), jnp.float32),
            pltpu.SemaphoreType.DMA,
            pltpu.SemaphoreType.DMA,
        ],
        compiler_params=pltpu.CompilerParams(use_tc_tiling_on_sc=False),
    )
    def k(table_hbm, idx_hbm, self_idx_hbm, nbr_hbm, self_hbm,
          ia, ib, isf, ra, rb, sem_g, sem_w):
        wid = lax.axis_index("s") * _NC + lax.axis_index("c")

        def fire(idx_ref, rows_ref, s):
            pltpu.sync_copy(idx_hbm.at[wid].at[s], idx_ref)
            for t in range(_EPS):
                pltpu.async_copy(table_hbm.at[idx_ref.at[t]],
                                 rows_ref.at[pl.ds(t * _IDS, _IDS)],
                                 sem_g)

        def drain_gathers(rows_ref):
            pltpu.make_async_copy(table_hbm.at[ia.at[0]], rows_ref,
                                  sem_g).wait()

        def write(rows_ref, s):
            off = pl.multiple_of((wid * _NSC + s) * _SROWS, _SROWS)
            pltpu.async_copy(rows_ref, nbr_hbm.at[pl.ds(off, _SROWS)], sem_w)

        def drain_write(rows_ref):
            pltpu.make_async_copy(rows_ref, nbr_hbm.at[pl.ds(0, _SROWS)],
                                  sem_w).wait()

        fire(ia, ra, 0)

        def pair_body(p, _):
            s0 = 2 * p
            fire(ib, rb, s0 + 1)
            drain_gathers(ra)
            write(ra, s0)
            drain_write(ra)
            fire(ia, ra, s0 + 2)
            drain_gathers(rb)
            write(rb, s0 + 1)
            drain_write(rb)
            return 0

        lax.fori_loop(0, _NSC // 2, pair_body, 0)
        drain_gathers(ra)
        write(ra, _NSC - 1)
        pltpu.sync_copy(self_idx_hbm.at[wid], isf)
        for s in range(_SELF_CH):
            soff = pl.multiple_of((wid * _SELF_CH + s) * 128, 128)
            pltpu.async_copy(table_hbm.at[isf.at[s]],
                             rb.at[pl.ds(0, 128)], sem_g).wait()
            pltpu.sync_copy(rb.at[pl.ds(0, 128)],
                            self_hbm.at[pl.ds(soff, 128)])
        drain_write(ra)

    return k(table, idx4d, idx_self)



_EB = 64
_RB = _EB * NNBR
_GRID_A = NE // _EB


def _enc_body(g_ref, self_ref, gcn_wt_ref, gcn_b_ref, attn_w_ref, attn_b_ref,
              gate_w_ref, gate_b_ref, out_ref):
    x = g_ref[...]
    proj = jnp.dot(x, gcn_wt_ref[...],
                   preferred_element_type=jnp.float32) + gcn_b_ref[...]
    proj = jnp.where(proj > 0, proj, 0.01 * proj)
    s = jnp.sum(proj * attn_w_ref[...], axis=1, keepdims=True)
    s = s + attn_b_ref[...]
    c = jnp.max(s)
    e = jnp.exp(s - c)
    seg = (lax.broadcasted_iota(jnp.int32, (_EB, _RB), 1) // NNBR
           == lax.broadcasted_iota(jnp.int32, (_EB, _RB), 0))
    sm = seg.astype(jnp.float32)
    denom = jnp.dot(sm, e, preferred_element_type=jnp.float32)
    num = jnp.dot(sm, proj * e, preferred_element_type=jnp.float32)
    agg = num / denom
    g = jnp.sum(agg * gate_w_ref[...], axis=1, keepdims=True) + gate_b_ref[...]
    gate = jax.nn.sigmoid(g)
    out_ref[...] = jnp.tanh(gate * agg + (1.0 - gate) * self_ref[...])


def _encode_neighbors(g2, self_rows, gcn_wt, gcn_b, attn_w, attn_b,
                      gate_w, gate_b):
    return pl.pallas_call(
        _enc_body,
        grid=(_GRID_A,),
        in_specs=[
            pl.BlockSpec((_RB, DM), lambda i: (i, 0)),
            pl.BlockSpec((_EB, ED), lambda i: (i, 0)),
            pl.BlockSpec((DM, ED), lambda i: (0, 0)),
            pl.BlockSpec((1, ED), lambda i: (0, 0)),
            pl.BlockSpec((1, ED), lambda i: (0, 0)),
            pl.BlockSpec((1, 1), lambda i: (0, 0)),
            pl.BlockSpec((1, ED), lambda i: (0, 0)),
            pl.BlockSpec((1, 1), lambda i: (0, 0)),
        ],
        out_specs=pl.BlockSpec((_EB, ED), lambda i: (i, 0)),
        out_shape=jax.ShapeDtypeStruct((NE, ED), jnp.float32),
    )(g2, self_rows, gcn_wt, gcn_b, attn_w, attn_b, gate_w, gate_b)



HIDDEN = 2 * DM
D_INNER = 2 * DM
STEPS = 4


def _head_body(enc_ref, sew1t_ref, seb1_ref, sew2t_ref, seb2_ref,
               lng_ref, lnb_ref, wiht_ref, whht_ref, bsum_ref, out_ref):
    enc = enc_ref[...]
    q_left = (enc[0:BQ] + enc[BQ:2 * BQ]) * 0.5
    q_right = (enc[2 * BQ:3 * BQ] + enc[3 * BQ:4 * BQ]) * 0.5
    o = 4 * BQ
    s_left = (enc[o:o + BS] + enc[o + BS:o + 2 * BS]) * 0.5
    s_right = (enc[o + 2 * BS:o + 3 * BS] + enc[o + 3 * BS:o + 4 * BS]) * 0.5
    qv = jnp.concatenate([q_left, q_right], axis=1)
    sv = jnp.concatenate([s_left, s_right], axis=1)
    x = jnp.concatenate([sv, qv], axis=0)

    h1 = jnp.maximum(
        jnp.dot(x, sew1t_ref[...], preferred_element_type=jnp.float32)
        + seb1_ref[...], 0.0)
    y = jnp.dot(h1, sew2t_ref[...],
                preferred_element_type=jnp.float32) + seb2_ref[...] + x
    m = jnp.mean(y, axis=1, keepdims=True)
    v = jnp.mean((y - m) ** 2, axis=1, keepdims=True)
    y = (y - m) / jnp.sqrt(v + 1e-5) * lng_ref[...] + lnb_ref[...]

    sg = jnp.mean(y[0:BS], axis=0, keepdims=True)
    q = y[BS:BS + BQ]
    r = jnp.broadcast_to(sg, (BQ, DM))

    h_r = jnp.zeros((BQ, HIDDEN), jnp.float32)
    cc = jnp.zeros((BQ, HIDDEN), jnp.float32)
    h = q
    for _ in range(STEPS):
        gates = (jnp.dot(q, wiht_ref[...], preferred_element_type=jnp.float32)
                 + jnp.dot(h_r, whht_ref[...],
                           preferred_element_type=jnp.float32)
                 + bsum_ref[...])
        gi = jax.nn.sigmoid(gates[:, 0:HIDDEN])
        gf = jax.nn.sigmoid(gates[:, HIDDEN:2 * HIDDEN])
        gg = jnp.tanh(gates[:, 2 * HIDDEN:3 * HIDDEN])
        go = jax.nn.sigmoid(gates[:, 3 * HIDDEN:4 * HIDDEN])
        cc = gf * cc + gi * gg
        hn = go * jnp.tanh(cc)
        h = q + hn[:, 0:DM]
        h_r = jnp.concatenate([h, r], axis=1)
    out_ref[...] = jnp.sum(h * sg, axis=1, keepdims=True)


def _head(enc, sew1t, seb1, sew2t, seb2, lng, lnb, wiht, whht, bsum):
    return pl.pallas_call(
        _head_body,
        out_shape=jax.ShapeDtypeStruct((BQ, 1), jnp.float32),
    )(enc, sew1t, seb1, sew2t, seb2, lng, lnb, wiht, whht, bsum)


def _build_idx(query, support, q_l1, q_l2, q_r1, q_r2, s_l1, s_l2, s_r1, s_r2):
    def flat(c):
        return c.astype(jnp.int32).reshape(-1, _IDS)

    nbr = jnp.concatenate([flat(q_l1), flat(q_l2), flat(q_r1), flat(q_r2),
                           flat(s_l1), flat(s_l2), flat(s_r1), flat(s_r2)],
                          axis=0)
    q = query.astype(jnp.int32)
    s = support.astype(jnp.int32)
    selfs = jnp.concatenate([q[:, 0], q[:, 0], q[:, 1], q[:, 1],
                             s[:, 0], s[:, 0], s[:, 1], s[:, 1]])
    selfs = jnp.pad(selfs, (0, SELF_PAD - NE), constant_values=PAD_ID)
    return (nbr.reshape(_NW, _NSC, _EPS, _IDS),
            selfs.reshape(_NW, _SELF_CH, 128))


def kernel(query, support, q_l1, q_l2, q_deg_l, q_r1, q_r2, q_deg_r,
           s_l1, s_l2, s_deg_l, s_r1, s_r2, s_deg_r,
           symbol_emb, gcn_W, gcn_wb, gcn_b, attn_W, attn_b,
           gate_W, gate_wb, gate_b, se_W1, se_b1, se_W2, se_b2,
           ln_g, ln_b, lstm_Wih, lstm_Whh, lstm_bih, lstm_bhh):
    idx4d, idx_self = _build_idx(query, support, q_l1, q_l2, q_r1, q_r2,
                                 s_l1, s_l2, s_r1, s_r2)
    nbr, self_rows = _gather_all(symbol_emb, idx4d, idx_self)
    g2 = nbr.reshape(NE * NNBR, DM)

    enc = _encode_neighbors(
        g2, self_rows,
        gcn_W.T,
        (gcn_wb + gcn_b).reshape(1, ED),
        attn_W.reshape(1, ED),
        attn_b.reshape(1, 1),
        gate_W.reshape(1, ED),
        (gate_wb + gate_b).reshape(1, 1),
    )

    out = _head(
        enc,
        se_W1.T, se_b1.reshape(1, D_INNER),
        se_W2.T, se_b2.reshape(1, DM),
        ln_g.reshape(1, DM), ln_b.reshape(1, DM),
        lstm_Wih.T, lstm_Whh.T,
        (lstm_bih + lstm_bhh).reshape(1, 4 * HIDDEN),
    )
    return out.reshape(BQ)

# --- scband reference (transcript-rebuilt; emitter-appended) ---
"""Pipeline reference for scband-embed-matcher-88441966559594 (READ-ONLY COPY).

The authoritative reference and input builder live on the scoring server;
editing this copy changes nothing except your own understanding.
"""

import jax, jax.numpy as jnp
import numpy as np

EMBED_DIM = 64
NUM_SYMBOLS = 1000000
D_MODEL = 2 * EMBED_DIM
D_INNER = 2 * D_MODEL
HIDDEN = 2 * D_MODEL
PROCESS_STEPS = 4
BQ, BS, NNBR = 1024, 64, 50


def setup_inputs(seed: int = 0):
    key = jax.random.key(seed)
    ks = jax.random.split(key, 40)
    p = lambda k, s: jax.random.normal(k, s, dtype=jnp.float32) * 0.05
    inp = {}
    inp["query"] = jax.random.randint(ks[0], (BQ, 2), 0, NUM_SYMBOLS)
    inp["support"] = jax.random.randint(ks[1], (BS, 2), 0, NUM_SYMBOLS)
    inp["q_l1"] = jax.random.randint(ks[2], (BQ, NNBR, 2), 0, NUM_SYMBOLS)
    inp["q_l2"] = jax.random.randint(ks[3], (BQ, NNBR, 2), 0, NUM_SYMBOLS)
    inp["q_deg_l"] = jax.random.randint(ks[4], (BQ,), 0, NNBR)
    inp["q_r1"] = jax.random.randint(ks[5], (BQ, NNBR, 2), 0, NUM_SYMBOLS)
    inp["q_r2"] = jax.random.randint(ks[6], (BQ, NNBR, 2), 0, NUM_SYMBOLS)
    inp["q_deg_r"] = jax.random.randint(ks[7], (BQ,), 0, NNBR)
    inp["s_l1"] = jax.random.randint(ks[8], (BS, NNBR, 2), 0, NUM_SYMBOLS)
    inp["s_l2"] = jax.random.randint(ks[9], (BS, NNBR, 2), 0, NUM_SYMBOLS)
    inp["s_deg_l"] = jax.random.randint(ks[10], (BS,), 0, NNBR)
    inp["s_r1"] = jax.random.randint(ks[11], (BS, NNBR, 2), 0, NUM_SYMBOLS)
    inp["s_r2"] = jax.random.randint(ks[12], (BS, NNBR, 2), 0, NUM_SYMBOLS)
    inp["s_deg_r"] = jax.random.randint(ks[13], (BS,), 0, NNBR)
    table = p(ks[14], (NUM_SYMBOLS + 1, EMBED_DIM)).at[NUM_SYMBOLS].set(0.0)
    inp["symbol_emb"] = table
    inp["gcn_W"] = p(ks[15], (EMBED_DIM, 2 * EMBED_DIM))
    inp["gcn_wb"] = jnp.zeros((EMBED_DIM,), jnp.float32)
    inp["gcn_b"] = jnp.zeros((EMBED_DIM,), jnp.float32)
    inp["attn_W"] = p(ks[16], (1, EMBED_DIM))
    inp["attn_b"] = jnp.zeros((1,), jnp.float32)
    inp["gate_W"] = p(ks[17], (1, EMBED_DIM))
    inp["gate_wb"] = jnp.zeros((1,), jnp.float32)
    inp["gate_b"] = jnp.zeros((1,), jnp.float32)
    inp["se_W1"] = p(ks[18], (D_INNER, D_MODEL))
    inp["se_b1"] = jnp.zeros((D_INNER,), jnp.float32)
    inp["se_W2"] = p(ks[19], (D_MODEL, D_INNER))
    inp["se_b2"] = jnp.zeros((D_MODEL,), jnp.float32)
    inp["ln_g"] = jnp.ones((D_MODEL,), jnp.float32)
    inp["ln_b"] = jnp.zeros((D_MODEL,), jnp.float32)
    inp["lstm_Wih"] = p(ks[20], (4 * HIDDEN, D_MODEL))
    inp["lstm_Whh"] = p(ks[21], (4 * HIDDEN, HIDDEN))
    inp["lstm_bih"] = jnp.zeros((4 * HIDDEN,), jnp.float32)
    inp["lstm_bhh"] = jnp.zeros((4 * HIDDEN,), jnp.float32)
    return inp


def _layer_norm(x, g, b, eps=1e-5):
    m = jnp.mean(x, axis=-1, keepdims=True)
    v = jnp.var(x, axis=-1, keepdims=True)
    return (x - m) / jnp.sqrt(v + eps) * g + b


def _support_encoder(x, se_W1, se_b1, se_W2, se_b2, ln_g, ln_b):
    residual = x
    out = jax.nn.relu(x @ se_W1.T + se_b1)
    out = out @ se_W2.T + se_b2
    return _layer_norm(out + residual, ln_g, ln_b)


def _lstm_cell(x, h, c, Wih, Whh, bih, bhh):
    gates = x @ Wih.T + bih + h @ Whh.T + bhh
    i, f, g, o = jnp.split(gates, 4, axis=1)
    c_new = jax.nn.sigmoid(f) * c + jax.nn.sigmoid(i) * jnp.tanh(g)
    h_new = jax.nn.sigmoid(o) * jnp.tanh(c_new)
    return h_new, c_new


def _query_encoder(support, query, Wih, Whh, bih, bhh):
    B = query.shape[0]
    h_r = jnp.zeros((B, HIDDEN), query.dtype)
    c = jnp.zeros((B, HIDDEN), query.dtype)
    h = query
    for _ in range(PROCESS_STEPS):
        h_r_, c = _lstm_cell(query, h_r, c, Wih, Whh, bih, bhh)
        h = query + h_r_[:, :D_MODEL]
        attn = jax.nn.softmax(h @ support.T, axis=1)
        r = attn @ support
        h_r = jnp.concatenate([h, r], axis=1)
    return h


def _neighbor_encoder(conn, self_ids, table, gcn_W, gcn_wb, gcn_b, attn_W, attn_b, gate_W, gate_wb, gate_b):
    rel_emb = table[conn[:, :, 0]]
    ent_emb = table[conn[:, :, 1]]
    self_emb = table[self_ids]
    concat = jnp.concatenate([rel_emb, ent_emb], axis=-1)
    projected = jax.nn.leaky_relu(concat @ gcn_W.T + gcn_wb + gcn_b)
    attn_scores = projected @ attn_W.T + attn_b
    attn_weights = jax.nn.softmax(attn_scores, axis=1)
    neighbor_agg = jnp.sum(projected * attn_weights, axis=1)
    gate_val = jax.nn.sigmoid(neighbor_agg @ gate_W.T + gate_wb + gate_b)
    final_vec = gate_val * neighbor_agg + (1.0 - gate_val) * self_emb
    return jnp.tanh(final_vec)


def reference(query, support, q_l1, q_l2, q_deg_l, q_r1, q_r2, q_deg_r,
              s_l1, s_l2, s_deg_l, s_r1, s_r2, s_deg_r,
              symbol_emb, gcn_W, gcn_wb, gcn_b, attn_W, attn_b,
              gate_W, gate_wb, gate_b, se_W1, se_b1, se_W2, se_b2,
              ln_g, ln_b, lstm_Wih, lstm_Whh, lstm_bih, lstm_bhh):
    enc = lambda conn, ids: _neighbor_encoder(conn, ids, symbol_emb, gcn_W, gcn_wb, gcn_b,
                                              attn_W, attn_b, gate_W, gate_wb, gate_b)
    q_h_ids, q_t_ids = query[:, 0], query[:, 1]
    s_h_ids, s_t_ids = support[:, 0], support[:, 1]
    q_left = (enc(q_l1, q_h_ids) + enc(q_l2, q_h_ids)) / 2.0
    q_right = (enc(q_r1, q_t_ids) + enc(q_r2, q_t_ids)) / 2.0
    s_left = (enc(s_l1, s_h_ids) + enc(s_l2, s_h_ids)) / 2.0
    s_right = (enc(s_r1, s_t_ids) + enc(s_r2, s_t_ids)) / 2.0
    query_vec = jnp.concatenate([q_left, q_right], axis=-1)
    support_vec = jnp.concatenate([s_left, s_right], axis=-1)
    support_g = _support_encoder(support_vec[:, None, :], se_W1, se_b1, se_W2, se_b2, ln_g, ln_b)
    query_encoded = _support_encoder(query_vec[:, None, :], se_W1, se_b1, se_W2, se_b2, ln_g, ln_b)
    support_g = jnp.mean(support_g, axis=0)
    query_encoded = query_encoded[:, 0, :]
    query_g = _query_encoder(support_g, query_encoded, lstm_Wih, lstm_Whh, lstm_bih, lstm_bhh)
    matching_scores = jnp.sum(query_g * support_g, axis=1)
    return matching_scores

if __name__ == "__main__":
    import jax
    _d = setup_inputs()
    print(jax.jit(kernel)(*tuple(_d.values())))

</pallas_src>

<mosaic_0001>
#map = affine_map<(d0, d1) -> (0, 0)>
#map1 = affine_map<(d0, d1) -> (0, 0, 0, 0)>
#map2 = affine_map<(d0, d1) -> (0, 0, 0)>
module attributes {stable_mosaic.version = 14 : i64} {
  func.func @k(%arg0: i32, %arg1: i32, %arg2: memref<1000001x64xf32, #tpu.memory_space<hbm>>, %arg3: memref<32x17x8x100xi32, #tpu.memory_space<hbm>>, %arg4: memref<32x2x128xi32, #tpu.memory_space<hbm>>, %arg5: memref<435200x64xf32, #tpu.memory_space<hbm>>, %arg6: memref<8192x64xf32, #tpu.memory_space<hbm>>, %arg7: memref<8x100xi32, #tpu.memory_space<vmem>>, %arg8: memref<8x100xi32, #tpu.memory_space<vmem>>, %arg9: memref<2x128xi32, #tpu.memory_space<vmem>>, %arg10: memref<800x64xf32, #tpu.memory_space<vmem>>, %arg11: memref<800x64xf32, #tpu.memory_space<vmem>>, %arg12: memref<!tpu.dma_semaphore, #tpu.memory_space<semaphore_mem>>, %arg13: memref<!tpu.dma_semaphore, #tpu.memory_space<semaphore_mem>>) attributes {dimension_semantics = [#tpu.dimension_semantics<core_parallel>, #tpu.dimension_semantics<subcore_parallel>], iteration_bounds = array<i64: 2, 16>, scalar_prefetch = 0 : i64, scratch_operands = 7 : i64, tpu.core_type = #tpu.core_type<sc_vector_subcore>, window_params = [{transform_indices = #map}, {transform_indices = #map1}, {transform_indices = #map2}, {transform_indices = #map}, {transform_indices = #map}]} {
    %mul3A = arith.constant 2 : i32
    %mul3A_0 = arith.muli %arg1, %mul3A : i32
    %add3A = arith.addi %mul3A_0, %arg0 : i32
    %run_scoped3A = arith.constant 0 : i32
    "tpu.region"() ({
      %run_scoped3A_162 = tpu.sem_alloc : memref<!tpu.dma_semaphore, #tpu.memory_space<semaphore_mem>>
      %dma_start3A_163 = arith.constant 0 : i32
      %dma_start3A_164 = arith.constant 0 : i32
      %dma_start3A_165 = arith.constant 0 : i32
      %dma_start3A_166 = tpu.memref_slice %arg3[%add3A, %dma_start3A_163, %dma_start3A_164, %dma_start3A_165] : memref<32x17x8x100xi32, #tpu.memory_space<hbm>> -> memref<1x17x8x100xi32, #tpu.memory_space<hbm>>
      %dma_start3A_167 = tpu.memref_squeeze %dma_start3A_166 : memref<1x17x8x100xi32, #tpu.memory_space<hbm>> -> memref<17x8x100xi32, #tpu.memory_space<hbm>>
      %dma_start3A_168 = arith.constant 0 : i32
      %dma_start3A_169 = arith.constant 0 : i32
      %dma_start3A_170 = tpu.memref_slice %dma_start3A_167[%run_scoped3A, %dma_start3A_168, %dma_start3A_169] : memref<17x8x100xi32, #tpu.memory_space<hbm>> -> memref<1x8x100xi32, #tpu.memory_space<hbm>>
      %dma_start3A_171 = tpu.memref_squeeze %dma_start3A_170 : memref<1x8x100xi32, #tpu.memory_space<hbm>> -> memref<8x100xi32, #tpu.memory_space<hbm>>
      %dma_start3A_172 = arith.constant 0 : i32
      %dma_start3A_173 = arith.constant 0 : i32
      %dma_start3A_174 = arith.constant 0 : i32
      %dma_start3A_175 = tpu.memref_slice %arg3[%add3A, %dma_start3A_172, %dma_start3A_173, %dma_start3A_174] : memref<32x17x8x100xi32, #tpu.memory_space<hbm>> -> memref<1x17x8x100xi32, #tpu.memory_space<hbm>>
      %dma_start3A_176 = tpu.memref_squeeze %dma_start3A_175 : memref<1x17x8x100xi32, #tpu.memory_space<hbm>> -> memref<17x8x100xi32, #tpu.memory_space<hbm>>
      %dma_start3A_177 = arith.constant 0 : i32
      %dma_start3A_178 = arith.constant 0 : i32
      %dma_start3A_179 = tpu.memref_slice %dma_start3A_176[%run_scoped3A, %dma_start3A_177, %dma_start3A_178] : memref<17x8x100xi32, #tpu.memory_space<hbm>> -> memref<1x8x100xi32, #tpu.memory_space<hbm>>
      %dma_start3A_180 = tpu.memref_squeeze %dma_start3A_179 : memref<1x8x100xi32, #tpu.memory_space<hbm>> -> memref<8x100xi32, #tpu.memory_space<hbm>>
      tpu.enqueue_dma source(%dma_start3A_180 : memref<8x100xi32, #tpu.memory_space<hbm>>) target(%arg7 : memref<8x100xi32, #tpu.memory_space<vmem>>) target_semaphore(%run_scoped3A_162 : memref<!tpu.dma_semaphore, #tpu.memory_space<semaphore_mem>>)
      %dma_wait3A_181 = arith.constant 0 : i32
      %dma_wait3A_182 = arith.constant 0 : i32
      %dma_wait3A_183 = arith.constant 0 : i32
      %dma_wait3A_184 = tpu.memref_slice %arg3[%add3A, %dma_wait3A_181, %dma_wait3A_182, %dma_wait3A_183] : memref<32x17x8x100xi32, #tpu.memory_space<hbm>> -> memref<1x17x8x100xi32, #tpu.memory_space<hbm>>
      %dma_wait3A_185 = tpu.memref_squeeze %dma_wait3A_184 : memref<1x17x8x100xi32, #tpu.memory_space<hbm>> -> memref<17x8x100xi32, #tpu.memory_space<hbm>>
      %dma_wait3A_186 = arith.constant 0 : i32
      %dma_wait3A_187 = arith.constant 0 : i32
      %dma_wait3A_188 = tpu.memref_slice %dma_wait3A_185[%run_scoped3A, %dma_wait3A_186, %dma_wait3A_187] : memref<17x8x100xi32, #tpu.memory_space<hbm>> -> memref<1x8x100xi32, #tpu.memory_space<hbm>>
      %dma_wait3A_189 = tpu.memref_squeeze %dma_wait3A_188 : memref<1x8x100xi32, #tpu.memory_space<hbm>> -> memref<8x100xi32, #tpu.memory_space<hbm>>
      %dma_wait3A_190 = arith.constant 0 : i32
      %dma_wait3A_191 = arith.constant 0 : i32
      %dma_wait3A_192 = arith.constant 0 : i32
      %dma_wait3A_193 = tpu.memref_slice %arg3[%add3A, %dma_wait3A_190, %dma_wait3A_191, %dma_wait3A_192] : memref<32x17x8x100xi32, #tpu.memory_space<hbm>> -> memref<1x17x8x100xi32, #tpu.memory_space<hbm>>
      %dma_wait3A_194 = tpu.memref_squeeze %dma_wait3A_193 : memref<1x17x8x100xi32, #tpu.memory_space<hbm>> -> memref<17x8x100xi32, #tpu.memory_space<hbm>>
      %dma_wait3A_195 = arith.constant 0 : i32
      %dma_wait3A_196 = arith.constant 0 : i32
      %dma_wait3A_197 = tpu.memref_slice %dma_wait3A_194[%run_scoped3A, %dma_wait3A_195, %dma_wait3A_196] : memref<17x8x100xi32, #tpu.memory_space<hbm>> -> memref<1x8x100xi32, #tpu.memory_space<hbm>>
      %dma_wait3A_198 = tpu.memref_squeeze %dma_wait3A_197 : memref<1x8x100xi32, #tpu.memory_space<hbm>> -> memref<8x100xi32, #tpu.memory_space<hbm>>
      tpu.wait_dma2 semaphore(%run_scoped3A_162 : memref<!tpu.dma_semaphore, #tpu.memory_space<semaphore_mem>>) src(%dma_wait3A_198 : memref<8x100xi32, #tpu.memory_space<hbm>>) dst(%arg7 : memref<8x100xi32, #tpu.memory_space<vmem>>)
      tpu.yield
    }) : () -> ()
    %dma_start3A = arith.constant 0 : i32
    %dma_start3A_1 = arith.constant 0 : i32
    %dma_start3A_2 = arith.constant 0 : i32
    %dma_start3A_3 = tpu.memref_slice %arg10[%dma_start3A_1, %dma_start3A_2] : memref<800x64xf32, #tpu.memory_space<vmem>> -> memref<100x64xf32, #tpu.memory_space<vmem>>
    %dma_start3A_4 = arith.constant 0 : i32
    %dma_start3A_5 = tpu.memref_slice %arg7[%dma_start3A, %dma_start3A_4] : memref<8x100xi32, #tpu.memory_space<vmem>> -> memref<1x100xi32, #tpu.memory_space<vmem>>
    %dma_start3A_6 = tpu.memref_squeeze %dma_start3A_5 : memref<1x100xi32, #tpu.memory_space<vmem>> -> memref<100xi32, #tpu.memory_space<vmem>>
    %dma_start3A_7 = arith.constant 0 : i32
    %dma_start3A_8 = arith.constant 0 : i32
    %dma_start3A_9 = tpu.memref_slice %arg2[%dma_start3A_7, %dma_start3A_8] : memref<1000001x64xf32, #tpu.memory_space<hbm>> -> memref<1000001x64xf32, #tpu.memory_space<hbm>>
    tpu.enqueue_indirect_dma source(%dma_start3A_9 : memref<1000001x64xf32, #tpu.memory_space<hbm>>) target(%dma_start3A_3 : memref<100x64xf32, #tpu.memory_space<vmem>>) offsets(%dma_start3A_6 : memref<100xi32, #tpu.memory_space<vmem>>) semaphore(%arg12 : memref<!tpu.dma_semaphore, #tpu.memory_space<semaphore_mem>>)
    %dma_start3A_10 = arith.constant 1 : i32
    %dma_start3A_11 = arith.constant 100 : i32
    %dma_start3A_12 = arith.constant 0 : i32
    %dma_start3A_13 = tpu.memref_slice %arg10[%dma_start3A_11, %dma_start3A_12] : memref<800x64xf32, #tpu.memory_space<vmem>> -> memref<100x64xf32, #tpu.memory_space<vmem>>
    %dma_start3A_14 = arith.constant 0 : i32
    %dma_start3A_15 = tpu.memref_slice %arg7[%dma_start3A_10, %dma_start3A_14] : memref<8x100xi32, #tpu.memory_space<vmem>> -> memref<1x100xi32, #tpu.memory_space<vmem>>
    %dma_start3A_16 = tpu.memref_squeeze %dma_start3A_15 : memref<1x100xi32, #tpu.memory_space<vmem>> -> memref<100xi32, #tpu.memory_space<vmem>>
    %dma_start3A_17 = arith.constant 0 : i32
    %dma_start3A_18 = arith.constant 0 : i32
    %dma_start3A_19 = tpu.memref_slice %arg2[%dma_start3A_17, %dma_start3A_18] : memref<1000001x64xf32, #tpu.memory_space<hbm>> -> memref<1000001x64xf32, #tpu.memory_space<hbm>>
    tpu.enqueue_indirect_dma source(%dma_start3A_19 : memref<1000001x64xf32, #tpu.memory_space<hbm>>) target(%dma_start3A_13 : memref<100x64xf32, #tpu.memory_space<vmem>>) offsets(%dma_start3A_16 : memref<100xi32, #tpu.memory_space<vmem>>) semaphore(%arg12 : memref<!tpu.dma_semaphore, #tpu.memory_space<semaphore_mem>>)
    %dma_start3A_20 = arith.constant 2 : i32
    %dma_start3A_21 = arith.constant 200 : i32
    %dma_start3A_22 = arith.constant 0 : i32
    %dma_start3A_23 = tpu.memref_slice %arg10[%dma_start3A_21, %dma_start3A_22] : memref<800x64xf32, #tpu.memory_space<vmem>> -> memref<100x64xf32, #tpu.memory_space<vmem>>
    %dma_start3A_24 = arith.constant 0 : i32
    %dma_start3A_25 = tpu.memref_slice %arg7[%dma_start3A_20, %dma_start3A_24] : memref<8x100xi32, #tpu.memory_space<vmem>> -> memref<1x100xi32, #tpu.memory_space<vmem>>
    %dma_start3A_26 = tpu.memref_squeeze %dma_start3A_25 : memref<1x100xi32, #tpu.memory_space<vmem>> -> memref<100xi32, #tpu.memory_space<vmem>>
    %dma_start3A_27 = arith.constant 0 : i32
    %dma_start3A_28 = arith.constant 0 : i32
    %dma_start3A_29 = tpu.memref_slice %arg2[%dma_start3A_27, %dma_start3A_28] : memref<1000001x64xf32, #tpu.memory_space<hbm>> -> memref<1000001x64xf32, #tpu.memory_space<hbm>>
    tpu.enqueue_indirect_dma source(%dma_start3A_29 : memref<1000001x64xf32, #tpu.memory_space<hbm>>) target(%dma_start3A_23 : memref<100x64xf32, #tpu.memory_space<vmem>>) offsets(%dma_start3A_26 : memref<100xi32, #tpu.memory_space<vmem>>) semaphore(%arg12 : memref<!tpu.dma_semaphore, #tpu.memory_space<semaphore_mem>>)
    %dma_start3A_30 = arith.constant 3 : i32
    %dma_start3A_31 = arith.constant 300 : i32
    %dma_start3A_32 = arith.constant 0 : i32
    %dma_start3A_33 = tpu.memref_slice %arg10[%dma_start3A_31, %dma_start3A_32] : memref<800x64xf32, #tpu.memory_space<vmem>> -> memref<100x64xf32, #tpu.memory_space<vmem>>
    %dma_start3A_34 = arith.constant 0 : i32
    %dma_start3A_35 = tpu.memref_slice %arg7[%dma_start3A_30, %dma_start3A_34] : memref<8x100xi32, #tpu.memory_space<vmem>> -> memref<1x100xi32, #tpu.memory_space<vmem>>
    %dma_start3A_36 = tpu.memref_squeeze %dma_start3A_35 : memref<1x100xi32, #tpu.memory_space<vmem>> -> memref<100xi32, #tpu.memory_space<vmem>>
    %dma_start3A_37 = arith.constant 0 : i32
    %dma_start3A_38 = arith.constant 0 : i32
    %dma_start3A_39 = tpu.memref_slice %arg2[%dma_start3A_37, %dma_start3A_38] : memref<1000001x64xf32, #tpu.memory_space<hbm>> -> memref<1000001x64xf32, #tpu.memory_space<hbm>>
    tpu.enqueue_indirect_dma source(%dma_start3A_39 : memref<1000001x64xf32, #tpu.memory_space<hbm>>) target(%dma_start3A_33 : memref<100x64xf32, #tpu.memory_space<vmem>>) offsets(%dma_start3A_36 : memref<100xi32, #tpu.memory_space<vmem>>) semaphore(%arg12 : memref<!tpu.dma_semaphore, #tpu.memory_space<semaphore_mem>>)
    %dma_start3A_40 = arith.constant 4 : i32
    %dma_start3A_41 = arith.constant 400 : i32
    %dma_start3A_42 = arith.constant 0 : i32
    %dma_start3A_43 = tpu.memref_slice %arg10[%dma_start3A_41, %dma_start3A_42] : memref<800x64xf32, #tpu.memory_space<vmem>> -> memref<100x64xf32, #tpu.memory_space<vmem>>
    %dma_start3A_44 = arith.constant 0 : i32
    %dma_start3A_45 = tpu.memref_slice %arg7[%dma_start3A_40, %dma_start3A_44] : memref<8x100xi32, #tpu.memory_space<vmem>> -> memref<1x100xi32, #tpu.memory_space<vmem>>
    %dma_start3A_46 = tpu.memref_squeeze %dma_start3A_45 : memref<1x100xi32, #tpu.memory_space<vmem>> -> memref<100xi32, #tpu.memory_space<vmem>>
    %dma_start3A_47 = arith.constant 0 : i32
    %dma_start3A_48 = arith.constant 0 : i32
    %dma_start3A_49 = tpu.memref_slice %arg2[%dma_start3A_47, %dma_start3A_48] : memref<1000001x64xf32, #tpu.memory_space<hbm>> -> memref<1000001x64xf32, #tpu.memory_space<hbm>>
    tpu.enqueue_indirect_dma source(%dma_start3A_49 : memref<1000001x64xf32, #tpu.memory_space<hbm>>) target(%dma_start3A_43 : memref<100x64xf32, #tpu.memory_space<vmem>>) offsets(%dma_start3A_46 : memref<100xi32, #tpu.memory_space<vmem>>) semaphore(%arg12 : memref<!tpu.dma_semaphore, #tpu.memory_space<semaphore_mem>>)
    %dma_start3A_50 = arith.constant 5 : i32
    %dma_start3A_51 = arith.constant 500 : i32
    %dma_start3A_52 = arith.constant 0 : i32
    %dma_start3A_53 = tpu.memref_slice %arg10[%dma_start3A_51, %dma_start3A_52] : memref<800x64xf32, #tpu.memory_space<vmem>> -> memref<100x64xf32, #tpu.memory_space<vmem>>
    %dma_start3A_54 = arith.constant 0 : i32
    %dma_start3A_55 = tpu.memref_slice %arg7[%dma_start3A_50, %dma_start3A_54] : memref<8x100xi32, #tpu.memory_space<vmem>> -> memref<1x100xi32, #tpu.memory_space<vmem>>
    %dma_start3A_56 = tpu.memref_squeeze %dma_start3A_55 : memref<1x100xi32, #tpu.memory_space<vmem>> -> memref<100xi32, #tpu.memory_space<vmem>>
    %dma_start3A_57 = arith.constant 0 : i32
    %dma_start3A_58 = arith.constant 0 : i32
    %dma_start3A_59 = tpu.memref_slice %arg2[%dma_start3A_57, %dma_start3A_58] : memref<1000001x64xf32, #tpu.memory_space<hbm>> -> memref<1000001x64xf32, #tpu.memory_space<hbm>>
    tpu.enqueue_indirect_dma source(%dma_start3A_59 : memref<1000001x64xf32, #tpu.memory_space<hbm>>) target(%dma_start3A_53 : memref<100x64xf32, #tpu.memory_space<vmem>>) offsets(%dma_start3A_56 : memref<100xi32, #tpu.memory_space<vmem>>) semaphore(%arg12 : memref<!tpu.dma_semaphore, #tpu.memory_space<semaphore_mem>>)
    %dma_start3A_60 = arith.constant 6 : i32
    %dma_start3A_61 = arith.constant 600 : i32
    %dma_start3A_62 = arith.constant 0 : i32
    %dma_start3A_63 = tpu.memref_slice %arg10[%dma_start3A_61, %dma_start3A_62] : memref<800x64xf32, #tpu.memory_space<vmem>> -> memref<100x64xf32, #tpu.memory_space<vmem>>
    %dma_start3A_64 = arith.constant 0 : i32
    %dma_start3A_65 = tpu.memref_slice %arg7[%dma_start3A_60, %dma_start3A_64] : memref<8x100xi32, #tpu.memory_space<vmem>> -> memref<1x100xi32, #tpu.memory_space<vmem>>
    %dma_start3A_66 = tpu.memref_squeeze %dma_start3A_65 : memref<1x100xi32, #tpu.memory_space<vmem>> -> memref<100xi32, #tpu.memory_space<vmem>>
    %dma_start3A_67 = arith.constant 0 : i32
    %dma_start3A_68 = arith.constant 0 : i32
    %dma_start3A_69 = tpu.memref_slice %arg2[%dma_start3A_67, %dma_start3A_68] : memref<1000001x64xf32, #tpu.memory_space<hbm>> -> memref<1000001x64xf32, #tpu.memory_space<hbm>>
    tpu.enqueue_indirect_dma source(%dma_start3A_69 : memref<1000001x64xf32, #tpu.memory_space<hbm>>) target(%dma_start3A_63 : memref<100x64xf32, #tpu.memory_space<vmem>>) offsets(%dma_start3A_66 : memref<100xi32, #tpu.memory_space<vmem>>) semaphore(%arg12 : memref<!tpu.dma_semaphore, #tpu.memory_space<semaphore_mem>>)
    %dma_start3A_70 = arith.constant 7 : i32
    %dma_start3A_71 = arith.constant 700 : i32
    %dma_start3A_72 = arith.constant 0 : i32
    %dma_start3A_73 = tpu.memref_slice %arg10[%dma_start3A_71, %dma_start3A_72] : memref<800x64xf32, #tpu.memory_space<vmem>> -> memref<100x64xf32, #tpu.memory_space<vmem>>
    %dma_start3A_74 = arith.constant 0 : i32
    %dma_start3A_75 = tpu.memref_slice %arg7[%dma_start3A_70, %dma_start3A_74] : memref<8x100xi32, #tpu.memory_space<vmem>> -> memref<1x100xi32, #tpu.memory_space<vmem>>
    %dma_start3A_76 = tpu.memref_squeeze %dma_start3A_75 : memref<1x100xi32, #tpu.memory_space<vmem>> -> memref<100xi32, #tpu.memory_space<vmem>>
    %dma_start3A_77 = arith.constant 0 : i32
    %dma_start3A_78 = arith.constant 0 : i32
    %dma_start3A_79 = tpu.memref_slice %arg2[%dma_start3A_77, %dma_start3A_78] : memref<1000001x64xf32, #tpu.memory_space<hbm>> -> memref<1000001x64xf32, #tpu.memory_space<hbm>>
    tpu.enqueue_indirect_dma source(%dma_start3A_79 : memref<1000001x64xf32, #tpu.memory_space<hbm>>) target(%dma_start3A_73 : memref<100x64xf32, #tpu.memory_space<vmem>>) offsets(%dma_start3A_76 : memref<100xi32, #tpu.memory_space<vmem>>) semaphore(%arg12 : memref<!tpu.dma_semaphore, #tpu.memory_space<semaphore_mem>>)
    %scan3A = arith.constant 0 : i32
    %scan3A_80 = arith.constant 0 : i32
    %scan3A_81 = arith.constant 8 : i32
    %scan3A_82 = arith.addi %scan3A_80, %scan3A_81 : i32
    %scan3A_83 = arith.constant 1 : i32
    %scan3A_84 = scf.for %scan3A_162 = %scan3A_80 to %scan3A_82 step %scan3A_83 iter_args(%scan3A_163 = %scan3A) -> (i32)  : i32 {
      %mul3A_164 = arith.constant 2 : i32
      %mul3A_165 = arith.muli %mul3A_164, %scan3A_162 : i32
      %add3A_166 = arith.constant 1 : i32
      %add3A_167 = arith.addi %mul3A_165, %add3A_166 : i32
      "tpu.region"() ({
        %run_scoped3A_379 = tpu.sem_alloc : memref<!tpu.dma_semaphore, #tpu.memory_space<semaphore_mem>>
        %dma_start3A_380 = arith.constant 0 : i32
        %dma_start3A_381 = arith.constant 0 : i32
        %dma_start3A_382 = arith.constant 0 : i32
        %dma_start3A_383 = tpu.memref_slice %arg3[%add3A, %dma_start3A_380, %dma_start3A_381, %dma_start3A_382] : memref<32x17x8x100xi32, #tpu.memory_space<hbm>> -> memref<1x17x8x100xi32, #tpu.memory_space<hbm>>
        %dma_start3A_384 = tpu.memref_squeeze %dma_start3A_383 : memref<1x17x8x100xi32, #tpu.memory_space<hbm>> -> memref<17x8x100xi32, #tpu.memory_space<hbm>>
        %dma_start3A_385 = arith.constant 0 : i32
        %dma_start3A_386 = arith.constant 0 : i32
        %dma_start3A_387 = tpu.memref_slice %dma_start3A_384[%add3A_167, %dma_start3A_385, %dma_start3A_386] : memref<17x8x100xi32, #tpu.memory_space<hbm>> -> memref<1x8x100xi32, #tpu.memory_space<hbm>>
        %dma_start3A_388 = tpu.memref_squeeze %dma_start3A_387 : memref<1x8x100xi32, #tpu.memory_space<hbm>> -> memref<8x100xi32, #tpu.memory_space<hbm>>
        %dma_start3A_389 = arith.constant 0 : i32
        %dma_start3A_390 = arith.constant 0 : i32
        %dma_start3A_391 = arith.constant 0 : i32
        %dma_start3A_392 = tpu.memref_slice %arg3[%add3A, %dma_start3A_389, %dma_start3A_390, %dma_start3A_391] : memref<32x17x8x100xi32, #tpu.memory_space<hbm>> -> memref<1x17x8x100xi32, #tpu.memory_space<hbm>>
        %dma_start3A_393 = tpu.memref_squeeze %dma_start3A_392 : memref<1x17x8x100xi32, #tpu.memory_space<hbm>> -> memref<17x8x100xi32, #tpu.memory_space<hbm>>
        %dma_start3A_394 = arith.constant 0 : i32
        %dma_start3A_395 = arith.constant 0 : i32
        %dma_start3A_396 = tpu.memref_slice %dma_start3A_393[%add3A_167, %dma_start3A_394, %dma_start3A_395] : memref<17x8x100xi32, #tpu.memory_space<hbm>> -> memref<1x8x100xi32, #tpu.memory_space<hbm>>
        %dma_start3A_397 = tpu.memref_squeeze %dma_start3A_396 : memref<1x8x100xi32, #tpu.memory_space<hbm>> -> memref<8x100xi32, #tpu.memory_space<hbm>>
        tpu.enqueue_dma source(%dma_start3A_397 : memref<8x100xi32, #tpu.memory_space<hbm>>) target(%arg8 : memref<8x100xi32, #tpu.memory_space<vmem>>) target_semaphore(%run_scoped3A_379 : memref<!tpu.dma_semaphore, #tpu.memory_space<semaphore_mem>>)
        %dma_wait3A_398 = arith.constant 0 : i32
        %dma_wait3A_399 = arith.constant 0 : i32
        %dma_wait3A_400 = arith.constant 0 : i32
        %dma_wait3A_401 = tpu.memref_slice %arg3[%add3A, %dma_wait3A_398, %dma_wait3A_399, %dma_wait3A_400] : memref<32x17x8x100xi32, #tpu.memory_space<hbm>> -> memref<1x17x8x100xi32, #tpu.memory_space<hbm>>
        %dma_wait3A_402 = tpu.memref_squeeze %dma_wait3A_401 : memref<1x17x8x100xi32, #tpu.memory_space<hbm>> -> memref<17x8x100xi32, #tpu.memory_space<hbm>>
        %dma_wait3A_403 = arith.constant 0 : i32
        %dma_wait3A_404 = arith.constant 0 : i32
        %dma_wait3A_405 = tpu.memref_slice %dma_wait3A_402[%add3A_167, %dma_wait3A_403, %dma_wait3A_404] : memref<17x8x100xi32, #tpu.memory_space<hbm>> -> memref<1x8x100xi32, #tpu.memory_space<hbm>>
        %dma_wait3A_406 = tpu.memref_squeeze %dma_wait3A_405 : memref<1x8x100xi32, #tpu.memory_space<hbm>> -> memref<8x100xi32, #tpu.memory_space<hbm>>
        %dma_wait3A_407 = arith.constant 0 : i32
        %dma_wait3A_408 = arith.constant 0 : i32
        %dma_wait3A_409 = arith.constant 0 : i32
        %dma_wait3A_410 = tpu.memref_slice %arg3[%add3A, %dma_wait3A_407, %dma_wait3A_408, %dma_wait3A_409] : memref<32x17x8x100xi32, #tpu.memory_space<hbm>> -> memref<1x17x8x100xi32, #tpu.memory_space<hbm>>
        %dma_wait3A_411 = tpu.memref_squeeze %dma_wait3A_410 : memref<1x17x8x100xi32, #tpu.memory_space<hbm>> -> memref<17x8x100xi32, #tpu.memory_space<hbm>>
        %dma_wait3A_412 = arith.constant 0 : i32
        %dma_wait3A_413 = arith.constant 0 : i32
        %dma_wait3A_414 = tpu.memref_slice %dma_wait3A_411[%add3A_167, %dma_wait3A_412, %dma_wait3A_413] : memref<17x8x100xi32, #tpu.memory_space<hbm>> -> memref<1x8x100xi32, #tpu.memory_space<hbm>>
        %dma_wait3A_415 = tpu.memref_squeeze %dma_wait3A_414 : memref<1x8x100xi32, #tpu.memory_space<hbm>> -> memref<8x100xi32, #tpu.memory_space<hbm>>
        tpu.wait_dma2 semaphore(%run_scoped3A_379 : memref<!tpu.dma_semaphore, #tpu.memory_space<semaphore_mem>>) src(%dma_wait3A_415 : memref<8x100xi32, #tpu.memory_space<hbm>>) dst(%arg8 : memref<8x100xi32, #tpu.memory_space<vmem>>)
        tpu.yield
      }) : () -> ()
      %dma_start3A_168 = arith.constant 0 : i32
      %dma_start3A_169 = arith.constant 0 : i32
      %dma_start3A_170 = arith.constant 0 : i32
      %dma_start3A_171 = tpu.memref_slice %arg11[%dma_start3A_169, %dma_start3A_170] : memref<800x64xf32, #tpu.memory_space<vmem>> -> memref<100x64xf32, #tpu.memory_space<vmem>>
      %dma_start3A_172 = arith.constant 0 : i32
      %dma_start3A_173 = tpu.memref_slice %arg8[%dma_start3A_168, %dma_start3A_172] : memref<8x100xi32, #tpu.memory_space<vmem>> -> memref<1x100xi32, #tpu.memory_space<vmem>>
      %dma_start3A_174 = tpu.memref_squeeze %dma_start3A_173 : memref<1x100xi32, #tpu.memory_space<vmem>> -> memref<100xi32, #tpu.memory_space<vmem>>
      %dma_start3A_175 = arith.constant 0 : i32
      %dma_start3A_176 = arith.constant 0 : i32
      %dma_start3A_177 = tpu.memref_slice %arg2[%dma_start3A_175, %dma_start3A_176] : memref<1000001x64xf32, #tpu.memory_space<hbm>> -> memref<1000001x64xf32, #tpu.memory_space<hbm>>
      tpu.enqueue_indirect_dma source(%dma_start3A_177 : memref<1000001x64xf32, #tpu.memory_space<hbm>>) target(%dma_start3A_171 : memref<100x64xf32, #tpu.memory_space<vmem>>) offsets(%dma_start3A_174 : memref<100xi32, #tpu.memory_space<vmem>>) semaphore(%arg12 : memref<!tpu.dma_semaphore, #tpu.memory_space<semaphore_mem>>)
      %dma_start3A_178 = arith.constant 1 : i32
      %dma_start3A_179 = arith.constant 100 : i32
      %dma_start3A_180 = arith.constant 0 : i32
      %dma_start3A_181 = tpu.memref_slice %arg11[%dma_start3A_179, %dma_start3A_180] : memref<800x64xf32, #tpu.memory_space<vmem>> -> memref<100x64xf32, #tpu.memory_space<vmem>>
      %dma_start3A_182 = arith.constant 0 : i32
      %dma_start3A_183 = tpu.memref_slice %arg8[%dma_start3A_178, %dma_start3A_182] : memref<8x100xi32, #tpu.memory_space<vmem>> -> memref<1x100xi32, #tpu.memory_space<vmem>>
      %dma_start3A_184 = tpu.memref_squeeze %dma_start3A_183 : memref<1x100xi32, #tpu.memory_space<vmem>> -> memref<100xi32, #tpu.memory_space<vmem>>
      %dma_start3A_185 = arith.constant 0 : i32
      %dma_start3A_186 = arith.constant 0 : i32
      %dma_start3A_187 = tpu.memref_slice %arg2[%dma_start3A_185, %dma_start3A_186] : memref<1000001x64xf32, #tpu.memory_space<hbm>> -> memref<1000001x64xf32, #tpu.memory_space<hbm>>
      tpu.enqueue_indirect_dma source(%dma_start3A_187 : memref<1000001x64xf32, #tpu.memory_space<hbm>>) target(%dma_start3A_181 : memref<100x64xf32, #tpu.memory_space<vmem>>) offsets(%dma_start3A_184 : memref<100xi32, #tpu.memory_space<vmem>>) semaphore(%arg12 : memref<!tpu.dma_semaphore, #tpu.memory_space<semaphore_mem>>)
      %dma_start3A_188 = arith.constant 2 : i32
      %dma_start3A_189 = arith.constant 200 : i32
      %dma_start3A_190 = arith.constant 0 : i32
      %dma_start3A_191 = tpu.memref_slice %arg11[%dma_start3A_189, %dma_start3A_190] : memref<800x64xf32, #tpu.memory_space<vmem>> -> memref<100x64xf32, #tpu.memory_space<vmem>>
      %dma_start3A_192 = arith.constant 0 : i32
      %dma_start3A_193 = tpu.memref_slice %arg8[%dma_start3A_188, %dma_start3A_192] : memref<8x100xi32, #tpu.memory_space<vmem>> -> memref<1x100xi32, #tpu.memory_space<vmem>>
      %dma_start3A_194 = tpu.memref_squeeze %dma_start3A_193 : memref<1x100xi32, #tpu.memory_space<vmem>> -> memref<100xi32, #tpu.memory_space<vmem>>
      %dma_start3A_195 = arith.constant 0 : i32
      %dma_start3A_196 = arith.constant 0 : i32
      %dma_start3A_197 = tpu.memref_slice %arg2[%dma_start3A_195, %dma_start3A_196] : memref<1000001x64xf32, #tpu.memory_space<hbm>> -> memref<1000001x64xf32, #tpu.memory_space<hbm>>
      tpu.enqueue_indirect_dma source(%dma_start3A_197 : memref<1000001x64xf32, #tpu.memory_space<hbm>>) target(%dma_start3A_191 : memref<100x64xf32, #tpu.memory_space<vmem>>) offsets(%dma_start3A_194 : memref<100xi32, #tpu.memory_space<vmem>>) semaphore(%arg12 : memref<!tpu.dma_semaphore, #tpu.memory_space<semaphore_mem>>)
      %dma_start3A_198 = arith.constant 3 : i32
      %dma_start3A_199 = arith.constant 300 : i32
      %dma_start3A_200 = arith.constant 0 : i32
      %dma_start3A_201 = tpu.memref_slice %arg11[%dma_start3A_199, %dma_start3A_200] : memref<800x64xf32, #tpu.memory_space<vmem>> -> memref<100x64xf32, #tpu.memory_space<vmem>>
      %dma_start3A_202 = arith.constant 0 : i32
      %dma_start3A_203 = tpu.memref_slice %arg8[%dma_start3A_198, %dma_start3A_202] : memref<8x100xi32, #tpu.memory_space<vmem>> -> memref<1x100xi32, #tpu.memory_space<vmem>>
      %dma_start3A_204 = tpu.memref_squeeze %dma_start3A_203 : memref<1x100xi32, #tpu.memory_space<vmem>> -> memref<100xi32, #tpu.memory_space<vmem>>
      %dma_start3A_205 = arith.constant 0 : i32
      %dma_start3A_206 = arith.constant 0 : i32
      %dma_start3A_207 = tpu.memref_slice %arg2[%dma_start3A_205, %dma_start3A_206] : memref<1000001x64xf32, #tpu.memory_space<hbm>> -> memref<1000001x64xf32, #tpu.memory_space<hbm>>
      tpu.enqueue_indirect_dma source(%dma_start3A_207 : memref<1000001x64xf32, #tpu.memory_space<hbm>>) target(%dma_start3A_201 : memref<100x64xf32, #tpu.memory_space<vmem>>) offsets(%dma_start3A_204 : memref<100xi32, #tpu.memory_space<vmem>>) semaphore(%arg12 : memref<!tpu.dma_semaphore, #tpu.memory_space<semaphore_mem>>)
      %dma_start3A_208 = arith.constant 4 : i32
      %dma_start3A_209 = arith.constant 400 : i32
      %dma_start3A_210 = arith.constant 0 : i32
      %dma_start3A_211 = tpu.memref_slice %arg11[%dma_start3A_209, %dma_start3A_210] : memref<800x64xf32, #tpu.memory_space<vmem>> -> memref<100x64xf32, #tpu.memory_space<vmem>>
      %dma_start3A_212 = arith.constant 0 : i32
      %dma_start3A_213 = tpu.memref_slice %arg8[%dma_start3A_208, %dma_start3A_212] : memref<8x100xi32, #tpu.memory_space<vmem>> -> memref<1x100xi32, #tpu.memory_space<vmem>>
      %dma_start3A_214 = tpu.memref_squeeze %dma_start3A_213 : memref<1x100xi32, #tpu.memory_space<vmem>> -> memref<100xi32, #tpu.memory_space<vmem>>
      %dma_start3A_215 = arith.constant 0 : i32
      %dma_start3A_216 = arith.constant 0 : i32
      %dma_start3A_217 = tpu.memref_slice %arg2[%dma_start3A_215, %dma_start3A_216] : memref<1000001x64xf32, #tpu.memory_space<hbm>> -> memref<1000001x64xf32, #tpu.memory_space<hbm>>
      tpu.enqueue_indirect_dma source(%dma_start3A_217 : memref<1000001x64xf32, #tpu.memory_space<hbm>>) target(%dma_start3A_211 : memref<100x64xf32, #tpu.memory_space<vmem>>) offsets(%dma_start3A_214 : memref<100xi32, #tpu.memory_space<vmem>>) semaphore(%arg12 : memref<!tpu.dma_semaphore, #tpu.memory_space<semaphore_mem>>)
      %dma_start3A_218 = arith.constant 5 : i32
      %dma_start3A_219 = arith.constant 500 : i32
      %dma_start3A_220 = arith.constant 0 : i32
      %dma_start3A_221 = tpu.memref_slice %arg11[%dma_start3A_219, %dma_start3A_220] : memref<800x64xf32, #tpu.memory_space<vmem>> -> memref<100x64xf32, #tpu.memory_space<vmem>>
      %dma_start3A_222 = arith.constant 0 : i32
      %dma_start3A_223 = tpu.memref_slice %arg8[%dma_start3A_218, %dma_start3A_222] : memref<8x100xi32, #tpu.memory_space<vmem>> -> memref<1x100xi32, #tpu.memory_space<vmem>>
      %dma_start3A_224 = tpu.memref_squeeze %dma_start3A_223 : memref<1x100xi32, #tpu.memory_space<vmem>> -> memref<100xi32, #tpu.memory_space<vmem>>
      %dma_start3A_225 = arith.constant 0 : i32
      %dma_start3A_226 = arith.constant 0 : i32
      %dma_start3A_227 = tpu.memref_slice %arg2[%dma_start3A_225, %dma_start3A_226] : memref<1000001x64xf32, #tpu.memory_space<hbm>> -> memref<1000001x64xf32, #tpu.memory_space<hbm>>
      tpu.enqueue_indirect_dma source(%dma_start3A_227 : memref<1000001x64xf32, #tpu.memory_space<hbm>>) target(%dma_start3A_221 : memref<100x64xf32, #tpu.memory_space<vmem>>) offsets(%dma_start3A_224 : memref<100xi32, #tpu.memory_space<vmem>>) semaphore(%arg12 : memref<!tpu.dma_semaphore, #tpu.memory_space<semaphore_mem>>)
      %dma_start3A_228 = arith.constant 6 : i32
      %dma_start3A_229 = arith.constant 600 : i32
      %dma_start3A_230 = arith.constant 0 : i32
      %dma_start3A_231 = tpu.memref_slice %arg11[%dma_start3A_229, %dma_start3A_230] : memref<800x64xf32, #tpu.memory_space<vmem>> -> memref<100x64xf32, #tpu.memory_space<vmem>>
      %dma_start3A_232 = arith.constant 0 : i32
      %dma_start3A_233 = tpu.memref_slice %arg8[%dma_start3A_228, %dma_start3A_232] : memref<8x100xi32, #tpu.memory_space<vmem>> -> memref<1x100xi32, #tpu.memory_space<vmem>>
      %dma_start3A_234 = tpu.memref_squeeze %dma_start3A_233 : memref<1x100xi32, #tpu.memory_space<vmem>> -> memref<100xi32, #tpu.memory_space<vmem>>
      %dma_start3A_235 = arith.constant 0 : i32
      %dma_start3A_236 = arith.constant 0 : i32
      %dma_start3A_237 = tpu.memref_slice %arg2[%dma_start3A_235, %dma_start3A_236] : memref<1000001x64xf32, #tpu.memory_space<hbm>> -> memref<1000001x64xf32, #tpu.memory_space<hbm>>
      tpu.enqueue_indirect_dma source(%dma_start3A_237 : memref<1000001x64xf32, #tpu.memory_space<hbm>>) target(%dma_start3A_231 : memref<100x64xf32, #tpu.memory_space<vmem>>) offsets(%dma_start3A_234 : memref<100xi32, #tpu.memory_space<vmem>>) semaphore(%arg12 : memref<!tpu.dma_semaphore, #tpu.memory_space<semaphore_mem>>)
      %dma_start3A_238 = arith.constant 7 : i32
      %dma_start3A_239 = arith.constant 700 : i32
      %dma_start3A_240 = arith.constant 0 : i32
      %dma_start3A_241 = tpu.memref_slice %arg11[%dma_start3A_239, %dma_start3A_240] : memref<800x64xf32, #tpu.memory_space<vmem>> -> memref<100x64xf32, #tpu.memory_space<vmem>>
      %dma_start3A_242 = arith.constant 0 : i32
      %dma_start3A_243 = tpu.memref_slice %arg8[%dma_start3A_238, %dma_start3A_242] : memref<8x100xi32, #tpu.memory_space<vmem>> -> memref<1x100xi32, #tpu.memory_space<vmem>>
      %dma_start3A_244 = tpu.memref_squeeze %dma_start3A_243 : memref<1x100xi32, #tpu.memory_space<vmem>> -> memref<100xi32, #tpu.memory_space<vmem>>
      %dma_start3A_245 = arith.constant 0 : i32
      %dma_start3A_246 = arith.constant 0 : i32
      %dma_start3A_247 = tpu.memref_slice %arg2[%dma_start3A_245, %dma_start3A_246] : memref<1000001x64xf32, #tpu.memory_space<hbm>> -> memref<1000001x64xf32, #tpu.memory_space<hbm>>
      tpu.enqueue_indirect_dma source(%dma_start3A_247 : memref<1000001x64xf32, #tpu.memory_space<hbm>>) target(%dma_start3A_241 : memref<100x64xf32, #tpu.memory_space<vmem>>) offsets(%dma_start3A_244 : memref<100xi32, #tpu.memory_space<vmem>>) semaphore(%arg12 : memref<!tpu.dma_semaphore, #tpu.memory_space<semaphore_mem>>)
      %dma_wait3A_248 = arith.constant 0 : i32
      %dma_wait3A_249 = arith.constant 0 : i32
      %dma_wait3A_250 = tpu.memref_slice %arg7[%dma_wait3A_248, %dma_wait3A_249] : memref<8x100xi32, #tpu.memory_space<vmem>> -> memref<1x100xi32, #tpu.memory_space<vmem>>
      %dma_wait3A_251 = tpu.memref_squeeze %dma_wait3A_250 : memref<1x100xi32, #tpu.memory_space<vmem>> -> memref<100xi32, #tpu.memory_space<vmem>>
      %dma_wait3A_252 = arith.constant 0 : i32
      %dma_wait3A_253 = arith.constant 0 : i32
      %dma_wait3A_254 = tpu.memref_slice %arg2[%dma_wait3A_252, %dma_wait3A_253] : memref<1000001x64xf32, #tpu.memory_space<hbm>> -> memref<1000001x64xf32, #tpu.memory_space<hbm>>
      tpu.wait_indirect_dma semaphore(%arg12 : memref<!tpu.dma_semaphore, #tpu.memory_space<semaphore_mem>>) src(%dma_wait3A_254 : memref<1000001x64xf32, #tpu.memory_space<hbm>>) dst(%arg10 : memref<800x64xf32, #tpu.memory_space<vmem>>)
      %mul3A_255 = arith.constant 17 : i32
      %mul3A_256 = arith.muli %add3A, %mul3A_255 : i32
      %add3A_257 = arith.addi %mul3A_256, %mul3A_165 : i32
      %mul3A_258 = arith.constant 800 : i32
      %mul3A_259 = arith.muli %add3A_257, %mul3A_258 : i32
      %multiple_of3A_260 = tpu.assume_multiple %mul3A_259, 800 : i32
      %dma_start3A_261 = arith.constant 0 : i32
      %dma_start3A_262 = tpu.memref_slice %arg5[%multiple_of3A_260, %dma_start3A_261] : memref<435200x64xf32, #tpu.memory_space<hbm>> -> memref<800x64xf32, #tpu.memory_space<hbm>>
      %dma_start3A_263 = arith.constant 0 : i32
      %dma_start3A_264 = tpu.memref_slice %arg5[%multiple_of3A_260, %dma_start3A_263] : memref<435200x64xf32, #tpu.memory_space<hbm>> -> memref<800x64xf32, #tpu.memory_space<hbm>>
      tpu.enqueue_dma source(%arg10 : memref<800x64xf32, #tpu.memory_space<vmem>>) target(%dma_start3A_264 : memref<800x64xf32, #tpu.memory_space<hbm>>) target_semaphore(%arg13 : memref<!tpu.dma_semaphore, #tpu.memory_space<semaphore_mem>>)
      %dma_wait3A_265 = arith.constant 0 : i32
      %dma_wait3A_266 = arith.constant 0 : i32
      %dma_wait3A_267 = tpu.memref_slice %arg5[%dma_wait3A_265, %dma_wait3A_266] : memref<435200x64xf32, #tpu.memory_space<hbm>> -> memref<800x64xf32, #tpu.memory_space<hbm>>
      %dma_wait3A_268 = arith.constant 0 : i32
      %dma_wait3A_269 = arith.constant 0 : i32
      %dma_wait3A_270 = tpu.memref_slice %arg5[%dma_wait3A_268, %dma_wait3A_269] : memref<435200x64xf32, #tpu.memory_space<hbm>> -> memref<800x64xf32, #tpu.memory_space<hbm>>
      tpu.wait_dma2 semaphore(%arg13 : memref<!tpu.dma_semaphore, #tpu.memory_space<semaphore_mem>>) src(%arg10 : memref<800x64xf32, #tpu.memory_space<vmem>>) dst(%dma_wait3A_270 : memref<800x64xf32, #tpu.memory_space<hbm>>)
      %add3A_271 = arith.constant 2 : i32
      %add3A_272 = arith.addi %mul3A_165, %add3A_271 : i32
      "tpu.region"() ({
        %run_scoped3A_379 = tpu.sem_alloc : memref<!tpu.dma_semaphore, #tpu.memory_space<semaphore_mem>>
        %dma_start3A_380 = arith.constant 0 : i32
        %dma_start3A_381 = arith.constant 0 : i32
        %dma_start3A_382 = arith.constant 0 : i32
        %dma_start3A_383 = tpu.memref_slice %arg3[%add3A, %dma_start3A_380, %dma_start3A_381, %dma_start3A_382] : memref<32x17x8x100xi32, #tpu.memory_space<hbm>> -> memref<1x17x8x100xi32, #tpu.memory_space<hbm>>
        %dma_start3A_384 = tpu.memref_squeeze %dma_start3A_383 : memref<1x17x8x100xi32, #tpu.memory_space<hbm>> -> memref<17x8x100xi32, #tpu.memory_space<hbm>>
        %dma_start3A_385 = arith.constant 0 : i32
        %dma_start3A_386 = arith.constant 0 : i32
        %dma_start3A_387 = tpu.memref_slice %dma_start3A_384[%add3A_272, %dma_start3A_385, %dma_start3A_386] : memref<17x8x100xi32, #tpu.memory_space<hbm>> -> memref<1x8x100xi32, #tpu.memory_space<hbm>>
        %dma_start3A_388 = tpu.memref_squeeze %dma_start3A_387 : memref<1x8x100xi32, #tpu.memory_space<hbm>> -> memref<8x100xi32, #tpu.memory_space<hbm>>
        %dma_start3A_389 = arith.constant 0 : i32
        %dma_start3A_390 = arith.constant 0 : i32
        %dma_start3A_391 = arith.constant 0 : i32
        %dma_start3A_392 = tpu.memref_slice %arg3[%add3A, %dma_start3A_389, %dma_start3A_390, %dma_start3A_391] : memref<32x17x8x100xi32, #tpu.memory_space<hbm>> -> memref<1x17x8x100xi32, #tpu.memory_space<hbm>>
        %dma_start3A_393 = tpu.memref_squeeze %dma_start3A_392 : memref<1x17x8x100xi32, #tpu.memory_space<hbm>> -> memref<17x8x100xi32, #tpu.memory_space<hbm>>
        %dma_start3A_394 = arith.constant 0 : i32
        %dma_start3A_395 = arith.constant 0 : i32
        %dma_start3A_396 = tpu.memref_slice %dma_start3A_393[%add3A_272, %dma_start3A_394, %dma_start3A_395] : memref<17x8x100xi32, #tpu.memory_space<hbm>> -> memref<1x8x100xi32, #tpu.memory_space<hbm>>
        %dma_start3A_397 = tpu.memref_squeeze %dma_start3A_396 : memref<1x8x100xi32, #tpu.memory_space<hbm>> -> memref<8x100xi32, #tpu.memory_space<hbm>>
        tpu.enqueue_dma source(%dma_start3A_397 : memref<8x100xi32, #tpu.memory_space<hbm>>) target(%arg7 : memref<8x100xi32, #tpu.memory_space<vmem>>) target_semaphore(%run_scoped3A_379 : memref<!tpu.dma_semaphore, #tpu.memory_space<semaphore_mem>>)
        %dma_wait3A_398 = arith.constant 0 : i32
        %dma_wait3A_399 = arith.constant 0 : i32
        %dma_wait3A_400 = arith.constant 0 : i32
        %dma_wait3A_401 = tpu.memref_slice %arg3[%add3A, %dma_wait3A_398, %dma_wait3A_399, %dma_wait3A_400] : memref<32x17x8x100xi32, #tpu.memory_space<hbm>> -> memref<1x17x8x100xi32, #tpu.memory_space<hbm>>
        %dma_wait3A_402 = tpu.memref_squeeze %dma_wait3A_401 : memref<1x17x8x100xi32, #tpu.memory_space<hbm>> -> memref<17x8x100xi32, #tpu.memory_space<hbm>>
        %dma_wait3A_403 = arith.constant 0 : i32
        %dma_wait3A_404 = arith.constant 0 : i32
        %dma_wait3A_405 = tpu.memref_slice %dma_wait3A_402[%add3A_272, %dma_wait3A_403, %dma_wait3A_404] : memref<17x8x100xi32, #tpu.memory_space<hbm>> -> memref<1x8x100xi32, #tpu.memory_space<hbm>>
        %dma_wait3A_406 = tpu.memref_squeeze %dma_wait3A_405 : memref<1x8x100xi32, #tpu.memory_space<hbm>> -> memref<8x100xi32, #tpu.memory_space<hbm>>
        %dma_wait3A_407 = arith.constant 0 : i32
        %dma_wait3A_408 = arith.constant 0 : i32
        %dma_wait3A_409 = arith.constant 0 : i32
        %dma_wait3A_410 = tpu.memref_slice %arg3[%add3A, %dma_wait3A_407, %dma_wait3A_408, %dma_wait3A_409] : memref<32x17x8x100xi32, #tpu.memory_space<hbm>> -> memref<1x17x8x100xi32, #tpu.memory_space<hbm>>
        %dma_wait3A_411 = tpu.memref_squeeze %dma_wait3A_410 : memref<1x17x8x100xi32, #tpu.memory_space<hbm>> -> memref<17x8x100xi32, #tpu.memory_space<hbm>>
        %dma_wait3A_412 = arith.constant 0 : i32
        %dma_wait3A_413 = arith.constant 0 : i32
        %dma_wait3A_414 = tpu.memref_slice %dma_wait3A_411[%add3A_272, %dma_wait3A_412, %dma_wait3A_413] : memref<17x8x100xi32, #tpu.memory_space<hbm>> -> memref<1x8x100xi32, #tpu.memory_space<hbm>>
        %dma_wait3A_415 = tpu.memref_squeeze %dma_wait3A_414 : memref<1x8x100xi32, #tpu.memory_space<hbm>> -> memref<8x100xi32, #tpu.memory_space<hbm>>
        tpu.wait_dma2 semaphore(%run_scoped3A_379 : memref<!tpu.dma_semaphore, #tpu.memory_space<semaphore_mem>>) src(%dma_wait3A_415 : memref<8x100xi32, #tpu.memory_space<hbm>>) dst(%arg7 : memref<8x100xi32, #tpu.memory_space<vmem>>)
        tpu.yield
      }) : () -> ()
      %dma_start3A_273 = arith.constant 0 : i32
      %dma_start3A_274 = arith.constant 0 : i32
      %dma_start3A_275 = arith.constant 0 : i32
      %dma_start3A_276 = tpu.memref_slice %arg10[%dma_start3A_274, %dma_start3A_275] : memref<800x64xf32, #tpu.memory_space<vmem>> -> memref<100x64xf32, #tpu.memory_space<vmem>>
      %dma_start3A_277 = arith.constant 0 : i32
      %dma_start3A_278 = tpu.memref_slice %arg7[%dma_start3A_273, %dma_start3A_277] : memref<8x100xi32, #tpu.memory_space<vmem>> -> memref<1x100xi32, #tpu.memory_space<vmem>>
      %dma_start3A_279 = tpu.memref_squeeze %dma_start3A_278 : memref<1x100xi32, #tpu.memory_space<vmem>> -> memref<100xi32, #tpu.memory_space<vmem>>
      %dma_start3A_280 = arith.constant 0 : i32
      %dma_start3A_281 = arith.constant 0 : i32
      %dma_start3A_282 = tpu.memref_slice %arg2[%dma_start3A_280, %dma_start3A_281] : memref<1000001x64xf32, #tpu.memory_space<hbm>> -> memref<1000001x64xf32, #tpu.memory_space<hbm>>
      tpu.enqueue_indirect_dma source(%dma_start3A_282 : memref<1000001x64xf32, #tpu.memory_space<hbm>>) target(%dma_start3A_276 : memref<100x64xf32, #tpu.memory_space<vmem>>) offsets(%dma_start3A_279 : memref<100xi32, #tpu.memory_space<vmem>>) semaphore(%arg12 : memref<!tpu.dma_semaphore, #tpu.memory_space<semaphore_mem>>)
      %dma_start3A_283 = arith.constant 1 : i32
      %dma_start3A_284 = arith.constant 100 : i32
      %dma_start3A_285 = arith.constant 0 : i32
      %dma_start3A_286 = tpu.memref_slice %arg10[%dma_start3A_284, %dma_start3A_285] : memref<800x64xf32, #tpu.memory_space<vmem>> -> memref<100x64xf32, #tpu.memory_space<vmem>>
      %dma_start3A_287 = arith.constant 0 : i32
      %dma_start3A_288 = tpu.memref_slice %arg7[%dma_start3A_283, %dma_start3A_287] : memref<8x100xi32, #tpu.memory_space<vmem>> -> memref<1x100xi32, #tpu.memory_space<vmem>>
      %dma_start3A_289 = tpu.memref_squeeze %dma_start3A_288 : memref<1x100xi32, #tpu.memory_space<vmem>> -> memref<100xi32, #tpu.memory_space<vmem>>
      %dma_start3A_290 = arith.constant 0 : i32
      %dma_start3A_291 = arith.constant 0 : i32
      %dma_start3A_292 = tpu.memref_slice %arg2[%dma_start3A_290, %dma_start3A_291] : memref<1000001x64xf32, #tpu.memory_space<hbm>> -> memref<1000001x64xf32, #tpu.memory_space<hbm>>
      tpu.enqueue_indirect_dma source(%dma_start3A_292 : memref<1000001x64xf32, #tpu.memory_space<hbm>>) target(%dma_start3A_286 : memref<100x64xf32, #tpu.memory_space<vmem>>) offsets(%dma_start3A_289 : memref<100xi32, #tpu.memory_space<vmem>>) semaphore(%arg12 : memref<!tpu.dma_semaphore, #tpu.memory_space<semaphore_mem>>)
      %dma_start3A_293 = arith.constant 2 : i32
      %dma_start3A_294 = arith.constant 200 : i32
      %dma_start3A_295 = arith.constant 0 : i32
      %dma_start3A_296 = tpu.memref_slice %arg10[%dma_start3A_294, %dma_start3A_295] : memref<800x64xf32, #tpu.memory_space<vmem>> -> memref<100x64xf32, #tpu.memory_space<vmem>>
      %dma_start3A_297 = arith.constant 0 : i32
      %dma_start3A_298 = tpu.memref_slice %arg7[%dma_start3A_293, %dma_start3A_297] : memref<8x100xi32, #tpu.memory_space<vmem>> -> memref<1x100xi32, #tpu.memory_space<vmem>>
      %dma_start3A_299 = tpu.memref_squeeze %dma_start3A_298 : memref<1x100xi32, #tpu.memory_space<vmem>> -> memref<100xi32, #tpu.memory_space<vmem>>
      %dma_start3A_300 = arith.constant 0 : i32
      %dma_start3A_301 = arith.constant 0 : i32
      %dma_start3A_302 = tpu.memref_slice %arg2[%dma_start3A_300, %dma_start3A_301] : memref<1000001x64xf32, #tpu.memory_space<hbm>> -> memref<1000001x64xf32, #tpu.memory_space<hbm>>
      tpu.enqueue_indirect_dma source(%dma_start3A_302 : memref<1000001x64xf32, #tpu.memory_space<hbm>>) target(%dma_start3A_296 : memref<100x64xf32, #tpu.memory_space<vmem>>) offsets(%dma_start3A_299 : memref<100xi32, #tpu.memory_space<vmem>>) semaphore(%arg12 : memref<!tpu.dma_semaphore, #tpu.memory_space<semaphore_mem>>)
      %dma_start3A_303 = arith.constant 3 : i32
      %dma_start3A_304 = arith.constant 300 : i32
      %dma_start3A_305 = arith.constant 0 : i32
      %dma_start3A_306 = tpu.memref_slice %arg10[%dma_start3A_304, %dma_start3A_305] : memref<800x64xf32, #tpu.memory_space<vmem>> -> memref<100x64xf32, #tpu.memory_space<vmem>>
      %dma_start3A_307 = arith.constant 0 : i32
      %dma_start3A_308 = tpu.memref_slice %arg7[%dma_start3A_303, %dma_start3A_307] : memref<8x100xi32, #tpu.memory_space<vmem>> -> memref<1x100xi32, #tpu.memory_space<vmem>>
      %dma_start3A_309 = tpu.memref_squeeze %dma_start3A_308 : memref<1x100xi32, #tpu.memory_space<vmem>> -> memref<100xi32, #tpu.memory_space<vmem>>
      %dma_start3A_310 = arith.constant 0 : i32
      %dma_start3A_311 = arith.constant 0 : i32
      %dma_start3A_312 = tpu.memref_slice %arg2[%dma_start3A_310, %dma_start3A_311] : memref<1000001x64xf32, #tpu.memory_space<hbm>> -> memref<1000001x64xf32, #tpu.memory_space<hbm>>
      tpu.enqueue_indirect_dma source(%dma_start3A_312 : memref<1000001x64xf32, #tpu.memory_space<hbm>>) target(%dma_start3A_306 : memref<100x64xf32, #tpu.memory_space<vmem>>) offsets(%dma_start3A_309 : memref<100xi32, #tpu.memory_space<vmem>>) semaphore(%arg12 : memref<!tpu.dma_semaphore, #tpu.memory_space<semaphore_mem>>)
      %dma_start3A_313 = arith.constant 4 : i32
      %dma_start3A_314 = arith.constant 400 : i32
      %dma_start3A_315 = arith.constant 0 : i32
      %dma_start3A_316 = tpu.memref_slice %arg10[%dma_start3A_314, %dma_start3A_315] : memref<800x64xf32, #tpu.memory_space<vmem>> -> memref<100x64xf32, #tpu.memory_space<vmem>>
      %dma_start3A_317 = arith.constant 0 : i32
      %dma_start3A_318 = tpu.memref_slice %arg7[%dma_start3A_313, %dma_start3A_317] : memref<8x100xi32, #tpu.memory_space<vmem>> -> memref<1x100xi32, #tpu.memory_space<vmem>>
      %dma_start3A_319 = tpu.memref_squeeze %dma_start3A_318 : memref<1x100xi32, #tpu.memory_space<vmem>> -> memref<100xi32, #tpu.memory_space<vmem>>
      %dma_start3A_320 = arith.constant 0 : i32
      %dma_start3A_321 = arith.constant 0 : i32
      %dma_start3A_322 = tpu.memref_slice %arg2[%dma_start3A_320, %dma_start3A_321] : memref<1000001x64xf32, #tpu.memory_space<hbm>> -> memref<1000001x64xf32, #tpu.memory_space<hbm>>
      tpu.enqueue_indirect_dma source(%dma_start3A_322 : memref<1000001x64xf32, #tpu.memory_space<hbm>>) target(%dma_start3A_316 : memref<100x64xf32, #tpu.memory_space<vmem>>) offsets(%dma_start3A_319 : memref<100xi32, #tpu.memory_space<vmem>>) semaphore(%arg12 : memref<!tpu.dma_semaphore, #tpu.memory_space<semaphore_mem>>)
      %dma_start3A_323 = arith.constant 5 : i32
      %dma_start3A_324 = arith.constant 500 : i32
      %dma_start3A_325 = arith.constant 0 : i32
      %dma_start3A_326 = tpu.memref_slice %arg10[%dma_start3A_324, %dma_start3A_325] : memref<800x64xf32, #tpu.memory_space<vmem>> -> memref<100x64xf32, #tpu.memory_space<vmem>>
      %dma_start3A_327 = arith.constant 0 : i32
      %dma_start3A_328 = tpu.memref_slice %arg7[%dma_start3A_323, %dma_start3A_327] : memref<8x100xi32, #tpu.memory_space<vmem>> -> memref<1x100xi32, #tpu.memory_space<vmem>>
      %dma_start3A_329 = tpu.memref_squeeze %dma_start3A_328 : memref<1x100xi32, #tpu.memory_space<vmem>> -> memref<100xi32, #tpu.memory_space<vmem>>
      %dma_start3A_330 = arith.constant 0 : i32
      %dma_start3A_331 = arith.constant 0 : i32
      %dma_start3A_332 = tpu.memref_slice %arg2[%dma_start3A_330, %dma_start3A_331] : memref<1000001x64xf32, #tpu.memory_space<hbm>> -> memref<1000001x64xf32, #tpu.memory_space<hbm>>
      tpu.enqueue_indirect_dma source(%dma_start3A_332 : memref<1000001x64xf32, #tpu.memory_space<hbm>>) target(%dma_start3A_326 : memref<100x64xf32, #tpu.memory_space<vmem>>) offsets(%dma_start3A_329 : memref<100xi32, #tpu.memory_space<vmem>>) semaphore(%arg12 : memref<!tpu.dma_semaphore, #tpu.memory_space<semaphore_mem>>)
      %dma_start3A_333 = arith.constant 6 : i32
      %dma_start3A_334 = arith.constant 600 : i32
      %dma_start3A_335 = arith.constant 0 : i32
      %dma_start3A_336 = tpu.memref_slice %arg10[%dma_start3A_334, %dma_start3A_335] : memref<800x64xf32, #tpu.memory_space<vmem>> -> memref<100x64xf32, #tpu.memory_space<vmem>>
      %dma_start3A_337 = arith.constant 0 : i32
      %dma_start3A_338 = tpu.memref_slice %arg7[%dma_start3A_333, %dma_start3A_337] : memref<8x100xi32, #tpu.memory_space<vmem>> -> memref<1x100xi32, #tpu.memory_space<vmem>>
      %dma_start3A_339 = tpu.memref_squeeze %dma_start3A_338 : memref<1x100xi32, #tpu.memory_space<vmem>> -> memref<100xi32, #tpu.memory_space<vmem>>
      %dma_start3A_340 = arith.constant 0 : i32
      %dma_start3A_341 = arith.constant 0 : i32
      %dma_start3A_342 = tpu.memref_slice %arg2[%dma_start3A_340, %dma_start3A_341] : memref<1000001x64xf32, #tpu.memory_space<hbm>> -> memref<1000001x64xf32, #tpu.memory_space<hbm>>
      tpu.enqueue_indirect_dma source(%dma_start3A_342 : memref<1000001x64xf32, #tpu.memory_space<hbm>>) target(%dma_start3A_336 : memref<100x64xf32, #tpu.memory_space<vmem>>) offsets(%dma_start3A_339 : memref<100xi32, #tpu.memory_space<vmem>>) semaphore(%arg12 : memref<!tpu.dma_semaphore, #tpu.memory_space<semaphore_mem>>)
      %dma_start3A_343 = arith.constant 7 : i32
      %dma_start3A_344 = arith.constant 700 : i32
      %dma_start3A_345 = arith.constant 0 : i32
      %dma_start3A_346 = tpu.memref_slice %arg10[%dma_start3A_344, %dma_start3A_345] : memref<800x64xf32, #tpu.memory_space<vmem>> -> memref<100x64xf32, #tpu.memory_space<vmem>>
      %dma_start3A_347 = arith.constant 0 : i32
      %dma_start3A_348 = tpu.memref_slice %arg7[%dma_start3A_343, %dma_start3A_347] : memref<8x100xi32, #tpu.memory_space<vmem>> -> memref<1x100xi32, #tpu.memory_space<vmem>>
      %dma_start3A_349 = tpu.memref_squeeze %dma_start3A_348 : memref<1x100xi32, #tpu.memory_space<vmem>> -> memref<100xi32, #tpu.memory_space<vmem>>
      %dma_start3A_350 = arith.constant 0 : i32
      %dma_start3A_351 = arith.constant 0 : i32
      %dma_start3A_352 = tpu.memref_slice %arg2[%dma_start3A_350, %dma_start3A_351] : memref<1000001x64xf32, #tpu.memory_space<hbm>> -> memref<1000001x64xf32, #tpu.memory_space<hbm>>
      tpu.enqueue_indirect_dma source(%dma_start3A_352 : memref<1000001x64xf32, #tpu.memory_space<hbm>>) target(%dma_start3A_346 : memref<100x64xf32, #tpu.memory_space<vmem>>) offsets(%dma_start3A_349 : memref<100xi32, #tpu.memory_space<vmem>>) semaphore(%arg12 : memref<!tpu.dma_semaphore, #tpu.memory_space<semaphore_mem>>)
      %dma_wait3A_353 = arith.constant 0 : i32
      %dma_wait3A_354 = arith.constant 0 : i32
      %dma_wait3A_355 = tpu.memref_slice %arg7[%dma_wait3A_353, %dma_wait3A_354] : memref<8x100xi32, #tpu.memory_space<vmem>> -> memref<1x100xi32, #tpu.memory_space<vmem>>
      %dma_wait3A_356 = tpu.memref_squeeze %dma_wait3A_355 : memref<1x100xi32, #tpu.memory_space<vmem>> -> memref<100xi32, #tpu.memory_space<vmem>>
      %dma_wait3A_357 = arith.constant 0 : i32
      %dma_wait3A_358 = arith.constant 0 : i32
      %dma_wait3A_359 = tpu.memref_slice %arg2[%dma_wait3A_357, %dma_wait3A_358] : memref<1000001x64xf32, #tpu.memory_space<hbm>> -> memref<1000001x64xf32, #tpu.memory_space<hbm>>
      tpu.wait_indirect_dma semaphore(%arg12 : memref<!tpu.dma_semaphore, #tpu.memory_space<semaphore_mem>>) src(%dma_wait3A_359 : memref<1000001x64xf32, #tpu.memory_space<hbm>>) dst(%arg11 : memref<800x64xf32, #tpu.memory_space<vmem>>)
      %add3A_360 = arith.constant 1 : i32
      %add3A_361 = arith.addi %mul3A_165, %add3A_360 : i32
      %mul3A_362 = arith.constant 17 : i32
      %mul3A_363 = arith.muli %add3A, %mul3A_362 : i32
      %add3A_364 = arith.addi %mul3A_363, %add3A_361 : i32
      %mul3A_365 = arith.constant 800 : i32
      %mul3A_366 = arith.muli %add3A_364, %mul3A_365 : i32
      %multiple_of3A_367 = tpu.assume_multiple %mul3A_366, 800 : i32
      %dma_start3A_368 = arith.constant 0 : i32
      %dma_start3A_369 = tpu.memref_slice %arg5[%multiple_of3A_367, %dma_start3A_368] : memref<435200x64xf32, #tpu.memory_space<hbm>> -> memref<800x64xf32, #tpu.memory_space<hbm>>
      %dma_start3A_370 = arith.constant 0 : i32
      %dma_start3A_371 = tpu.memref_slice %arg5[%multiple_of3A_367, %dma_start3A_370] : memref<435200x64xf32, #tpu.memory_space<hbm>> -> memref<800x64xf32, #tpu.memory_space<hbm>>
      tpu.enqueue_dma source(%arg11 : memref<800x64xf32, #tpu.memory_space<vmem>>) target(%dma_start3A_371 : memref<800x64xf32, #tpu.memory_space<hbm>>) target_semaphore(%arg13 : memref<!tpu.dma_semaphore, #tpu.memory_space<semaphore_mem>>)
      %dma_wait3A_372 = arith.constant 0 : i32
      %dma_wait3A_373 = arith.constant 0 : i32
      %dma_wait3A_374 = tpu.memref_slice %arg5[%dma_wait3A_372, %dma_wait3A_373] : memref<435200x64xf32, #tpu.memory_space<hbm>> -> memref<800x64xf32, #tpu.memory_space<hbm>>
      %dma_wait3A_375 = arith.constant 0 : i32
      %dma_wait3A_376 = arith.constant 0 : i32
      %dma_wait3A_377 = tpu.memref_slice %arg5[%dma_wait3A_375, %dma_wait3A_376] : memref<435200x64xf32, #tpu.memory_space<hbm>> -> memref<800x64xf32, #tpu.memory_space<hbm>>
      tpu.wait_dma2 semaphore(%arg13 : memref<!tpu.dma_semaphore, #tpu.memory_space<semaphore_mem>>) src(%arg11 : memref<800x64xf32, #tpu.memory_space<vmem>>) dst(%dma_wait3A_377 : memref<800x64xf32, #tpu.memory_space<hbm>>)
      %scan3A_378 = arith.constant 0 : i32
      scf.yield %scan3A_378 : i32
    }
    %scan3A_85 = arith.constant 8 : i32
    %dma_wait3A = arith.constant 0 : i32
    %dma_wait3A_86 = arith.constant 0 : i32
    %dma_wait3A_87 = tpu.memref_slice %arg7[%dma_wait3A, %dma_wait3A_86] : memref<8x100xi32, #tpu.memory_space<vmem>> -> memref<1x100xi32, #tpu.memory_space<vmem>>
    %dma_wait3A_88 = tpu.memref_squeeze %dma_wait3A_87 : memref<1x100xi32, #tpu.memory_space<vmem>> -> memref<100xi32, #tpu.memory_space<vmem>>
    %dma_wait3A_89 = arith.constant 0 : i32
    %dma_wait3A_90 = arith.constant 0 : i32
    %dma_wait3A_91 = tpu.memref_slice %arg2[%dma_wait3A_89, %dma_wait3A_90] : memref<1000001x64xf32, #tpu.memory_space<hbm>> -> memref<1000001x64xf32, #tpu.memory_space<hbm>>
    tpu.wait_indirect_dma semaphore(%arg12 : memref<!tpu.dma_semaphore, #tpu.memory_space<semaphore_mem>>) src(%dma_wait3A_91 : memref<1000001x64xf32, #tpu.memory_space<hbm>>) dst(%arg10 : memref<800x64xf32, #tpu.memory_space<vmem>>)
    %mul3A_92 = arith.constant 17 : i32
    %mul3A_93 = arith.muli %add3A, %mul3A_92 : i32
    %add3A_94 = arith.constant 16 : i32
    %add3A_95 = arith.addi %mul3A_93, %add3A_94 : i32
    %mul3A_96 = arith.constant 800 : i32
    %mul3A_97 = arith.muli %add3A_95, %mul3A_96 : i32
    %multiple_of3A = tpu.assume_multiple %mul3A_97, 800 : i32
    %dma_start3A_98 = arith.constant 0 : i32
    %dma_start3A_99 = tpu.memref_slice %arg5[%multiple_of3A, %dma_start3A_98] : memref<435200x64xf32, #tpu.memory_space<hbm>> -> memref<800x64xf32, #tpu.memory_space<hbm>>
    %dma_start3A_100 = arith.constant 0 : i32
    %dma_start3A_101 = tpu.memref_slice %arg5[%multiple_of3A, %dma_start3A_100] : memref<435200x64xf32, #tpu.memory_space<hbm>> -> memref<800x64xf32, #tpu.memory_space<hbm>>
    tpu.enqueue_dma source(%arg10 : memref<800x64xf32, #tpu.memory_space<vmem>>) target(%dma_start3A_101 : memref<800x64xf32, #tpu.memory_space<hbm>>) target_semaphore(%arg13 : memref<!tpu.dma_semaphore, #tpu.memory_space<semaphore_mem>>)
    "tpu.region"() ({
      %run_scoped3A_162 = tpu.sem_alloc : memref<!tpu.dma_semaphore, #tpu.memory_space<semaphore_mem>>
      %dma_start3A_163 = arith.constant 0 : i32
      %dma_start3A_164 = arith.constant 0 : i32
      %dma_start3A_165 = tpu.memref_slice %arg4[%add3A, %dma_start3A_163, %dma_start3A_164] : memref<32x2x128xi32, #tpu.memory_space<hbm>> -> memref<1x2x128xi32, #tpu.memory_space<hbm>>
      %dma_start3A_166 = tpu.memref_squeeze %dma_start3A_165 : memref<1x2x128xi32, #tpu.memory_space<hbm>> -> memref<2x128xi32, #tpu.memory_space<hbm>>
      %dma_start3A_167 = arith.constant 0 : i32
      %dma_start3A_168 = arith.constant 0 : i32
      %dma_start3A_169 = tpu.memref_slice %arg4[%add3A, %dma_start3A_167, %dma_start3A_168] : memref<32x2x128xi32, #tpu.memory_space<hbm>> -> memref<1x2x128xi32, #tpu.memory_space<hbm>>
      %dma_start3A_170 = tpu.memref_squeeze %dma_start3A_169 : memref<1x2x128xi32, #tpu.memory_space<hbm>> -> memref<2x128xi32, #tpu.memory_space<hbm>>
      tpu.enqueue_dma source(%dma_start3A_170 : memref<2x128xi32, #tpu.memory_space<hbm>>) target(%arg9 : memref<2x128xi32, #tpu.memory_space<vmem>>) target_semaphore(%run_scoped3A_162 : memref<!tpu.dma_semaphore, #tpu.memory_space<semaphore_mem>>)
      %dma_wait3A_171 = arith.constant 0 : i32
      %dma_wait3A_172 = arith.constant 0 : i32
      %dma_wait3A_173 = tpu.memref_slice %arg4[%add3A, %dma_wait3A_171, %dma_wait3A_172] : memref<32x2x128xi32, #tpu.memory_space<hbm>> -> memref<1x2x128xi32, #tpu.memory_space<hbm>>
      %dma_wait3A_174 = tpu.memref_squeeze %dma_wait3A_173 : memref<1x2x128xi32, #tpu.memory_space<hbm>> -> memref<2x128xi32, #tpu.memory_space<hbm>>
      %dma_wait3A_175 = arith.constant 0 : i32
      %dma_wait3A_176 = arith.constant 0 : i32
      %dma_wait3A_177 = tpu.memref_slice %arg4[%add3A, %dma_wait3A_175, %dma_wait3A_176] : memref<32x2x128xi32, #tpu.memory_space<hbm>> -> memref<1x2x128xi32, #tpu.memory_space<hbm>>
      %dma_wait3A_178 = tpu.memref_squeeze %dma_wait3A_177 : memref<1x2x128xi32, #tpu.memory_space<hbm>> -> memref<2x128xi32, #tpu.memory_space<hbm>>
      tpu.wait_dma2 semaphore(%run_scoped3A_162 : memref<!tpu.dma_semaphore, #tpu.memory_space<semaphore_mem>>) src(%dma_wait3A_178 : memref<2x128xi32, #tpu.memory_space<hbm>>) dst(%arg9 : memref<2x128xi32, #tpu.memory_space<vmem>>)
      tpu.yield
    }) : () -> ()
    %mul3A_102 = arith.constant 2 : i32
    %mul3A_103 = arith.muli %add3A, %mul3A_102 : i32
    %add3A_104 = arith.constant 0 : i32
    %add3A_105 = arith.addi %mul3A_103, %add3A_104 : i32
    %mul3A_106 = arith.constant 128 : i32
    %mul3A_107 = arith.muli %add3A_105, %mul3A_106 : i32
    %multiple_of3A_108 = tpu.assume_multiple %mul3A_107, 128 : i32
    %dma_start3A_109 = arith.constant 0 : i32
    %dma_start3A_110 = arith.constant 0 : i32
    %dma_start3A_111 = arith.constant 0 : i32
    %dma_start3A_112 = tpu.memref_slice %arg11[%dma_start3A_110, %dma_start3A_111] : memref<800x64xf32, #tpu.memory_space<vmem>> -> memref<128x64xf32, #tpu.memory_space<vmem>>
    %dma_start3A_113 = arith.constant 0 : i32
    %dma_start3A_114 = tpu.memref_slice %arg9[%dma_start3A_109, %dma_start3A_113] : memref<2x128xi32, #tpu.memory_space<vmem>> -> memref<1x128xi32, #tpu.memory_space<vmem>>
    %dma_start3A_115 = tpu.memref_squeeze %dma_start3A_114 : memref<1x128xi32, #tpu.memory_space<vmem>> -> memref<128xi32, #tpu.memory_space<vmem>>
    %dma_start3A_116 = arith.constant 0 : i32
    %dma_start3A_117 = arith.constant 0 : i32
    %dma_start3A_118 = tpu.memref_slice %arg2[%dma_start3A_116, %dma_start3A_117] : memref<1000001x64xf32, #tpu.memory_space<hbm>> -> memref<1000001x64xf32, #tpu.memory_space<hbm>>
    tpu.enqueue_indirect_dma source(%dma_start3A_118 : memref<1000001x64xf32, #tpu.memory_space<hbm>>) target(%dma_start3A_112 : memref<128x64xf32, #tpu.memory_space<vmem>>) offsets(%dma_start3A_115 : memref<128xi32, #tpu.memory_space<vmem>>) semaphore(%arg12 : memref<!tpu.dma_semaphore, #tpu.memory_space<semaphore_mem>>)
    %dma_wait3A_119 = arith.constant 0 : i32
    %dma_wait3A_120 = arith.constant 0 : i32
    %dma_wait3A_121 = arith.constant 0 : i32
    %dma_wait3A_122 = tpu.memref_slice %arg11[%dma_wait3A_120, %dma_wait3A_121] : memref<800x64xf32, #tpu.memory_space<vmem>> -> memref<128x64xf32, #tpu.memory_space<vmem>>
    %dma_wait3A_123 = arith.constant 0 : i32
    %dma_wait3A_124 = tpu.memref_slice %arg9[%dma_wait3A_119, %dma_wait3A_123] : memref<2x128xi32, #tpu.memory_space<vmem>> -> memref<1x128xi32, #tpu.memory_space<vmem>>
    %dma_wait3A_125 = tpu.memref_squeeze %dma_wait3A_124 : memref<1x128xi32, #tpu.memory_space<vmem>> -> memref<128xi32, #tpu.memory_space<vmem>>
    %dma_wait3A_126 = arith.constant 0 : i32
    %dma_wait3A_127 = arith.constant 0 : i32
    %dma_wait3A_128 = tpu.memref_slice %arg2[%dma_wait3A_126, %dma_wait3A_127] : memref<1000001x64xf32, #tpu.memory_space<hbm>> -> memref<1000001x64xf32, #tpu.memory_space<hbm>>
    tpu.wait_indirect_dma semaphore(%arg12 : memref<!tpu.dma_semaphore, #tpu.memory_space<semaphore_mem>>) src(%dma_wait3A_128 : memref<1000001x64xf32, #tpu.memory_space<hbm>>) dst(%dma_wait3A_122 : memref<128x64xf32, #tpu.memory_space<vmem>>)
    "tpu.region"() ({
      %run_scoped3A_162 = tpu.sem_alloc : memref<!tpu.dma_semaphore, #tpu.memory_space<semaphore_mem>>
      %dma_start3A_163 = arith.constant 0 : i32
      %dma_start3A_164 = arith.constant 0 : i32
      %dma_start3A_165 = tpu.memref_slice %arg11[%dma_start3A_163, %dma_start3A_164] : memref<800x64xf32, #tpu.memory_space<vmem>> -> memref<128x64xf32, #tpu.memory_space<vmem>>
      %dma_start3A_166 = arith.constant 0 : i32
      %dma_start3A_167 = tpu.memref_slice %arg6[%multiple_of3A_108, %dma_start3A_166] : memref<8192x64xf32, #tpu.memory_space<hbm>> -> memref<128x64xf32, #tpu.memory_space<hbm>>
      %dma_start3A_168 = arith.constant 0 : i32
      %dma_start3A_169 = tpu.memref_slice %arg6[%multiple_of3A_108, %dma_start3A_168] : memref<8192x64xf32, #tpu.memory_space<hbm>> -> memref<128x64xf32, #tpu.memory_space<hbm>>
      %dma_start3A_170 = arith.constant 0 : i32
      %dma_start3A_171 = arith.constant 0 : i32
      %dma_start3A_172 = tpu.memref_slice %arg11[%dma_start3A_170, %dma_start3A_171] : memref<800x64xf32, #tpu.memory_space<vmem>> -> memref<128x64xf32, #tpu.memory_space<vmem>>
      tpu.enqueue_dma source(%dma_start3A_172 : memref<128x64xf32, #tpu.memory_space<vmem>>) target(%dma_start3A_169 : memref<128x64xf32, #tpu.memory_space<hbm>>) target_semaphore(%run_scoped3A_162 : memref<!tpu.dma_semaphore, #tpu.memory_space<semaphore_mem>>)
      %dma_wait3A_173 = arith.constant 0 : i32
      %dma_wait3A_174 = arith.constant 0 : i32
      %dma_wait3A_175 = tpu.memref_slice %arg11[%dma_wait3A_173, %dma_wait3A_174] : memref<800x64xf32, #tpu.memory_space<vmem>> -> memref<128x64xf32, #tpu.memory_space<vmem>>
      %dma_wait3A_176 = arith.constant 0 : i32
      %dma_wait3A_177 = tpu.memref_slice %arg6[%multiple_of3A_108, %dma_wait3A_176] : memref<8192x64xf32, #tpu.memory_space<hbm>> -> memref<128x64xf32, #tpu.memory_space<hbm>>
      %dma_wait3A_178 = arith.constant 0 : i32
      %dma_wait3A_179 = tpu.memref_slice %arg6[%multiple_of3A_108, %dma_wait3A_178] : memref<8192x64xf32, #tpu.memory_space<hbm>> -> memref<128x64xf32, #tpu.memory_space<hbm>>
      %dma_wait3A_180 = arith.constant 0 : i32
      %dma_wait3A_181 = arith.constant 0 : i32
      %dma_wait3A_182 = tpu.memref_slice %arg11[%dma_wait3A_180, %dma_wait3A_181] : memref<800x64xf32, #tpu.memory_space<vmem>> -> memref<128x64xf32, #tpu.memory_space<vmem>>
      tpu.wait_dma2 semaphore(%run_scoped3A_162 : memref<!tpu.dma_semaphore, #tpu.memory_space<semaphore_mem>>) src(%dma_wait3A_182 : memref<128x64xf32, #tpu.memory_space<vmem>>) dst(%dma_wait3A_179 : memref<128x64xf32, #tpu.memory_space<hbm>>)
      tpu.yield
    }) : () -> ()
    %mul3A_129 = arith.constant 2 : i32
    %mul3A_130 = arith.muli %add3A, %mul3A_129 : i32
    %add3A_131 = arith.constant 1 : i32
    %add3A_132 = arith.addi %mul3A_130, %add3A_131 : i32
    %mul3A_133 = arith.constant 128 : i32
    %mul3A_134 = arith.muli %add3A_132, %mul3A_133 : i32
    %multiple_of3A_135 = tpu.assume_multiple %mul3A_134, 128 : i32
    %dma_start3A_136 = arith.constant 1 : i32
    %dma_start3A_137 = arith.constant 0 : i32
    %dma_start3A_138 = arith.constant 0 : i32
    %dma_start3A_139 = tpu.memref_slice %arg11[%dma_start3A_137, %dma_start3A_138] : memref<800x64xf32, #tpu.memory_space<vmem>> -> memref<128x64xf32, #tpu.memory_space<vmem>>
    %dma_start3A_140 = arith.constant 0 : i32
    %dma_start3A_141 = tpu.memref_slice %arg9[%dma_start3A_136, %dma_start3A_140] : memref<2x128xi32, #tpu.memory_space<vmem>> -> memref<1x128xi32, #tpu.memory_space<vmem>>
    %dma_start3A_142 = tpu.memref_squeeze %dma_start3A_141 : memref<1x128xi32, #tpu.memory_space<vmem>> -> memref<128xi32, #tpu.memory_space<vmem>>
    %dma_start3A_143 = arith.constant 0 : i32
    %dma_start3A_144 = arith.constant 0 : i32
    %dma_start3A_145 = tpu.memref_slice %arg2[%dma_start3A_143, %dma_start3A_144] : memref<1000001x64xf32, #tpu.memory_space<hbm>> -> memref<1000001x64xf32, #tpu.memory_space<hbm>>
    tpu.enqueue_indirect_dma source(%dma_start3A_145 : memref<1000001x64xf32, #tpu.memory_space<hbm>>) target(%dma_start3A_139 : memref<128x64xf32, #tpu.memory_space<vmem>>) offsets(%dma_start3A_142 : memref<128xi32, #tpu.memory_space<vmem>>) semaphore(%arg12 : memref<!tpu.dma_semaphore, #tpu.memory_space<semaphore_mem>>)
    %dma_wait3A_146 = arith.constant 1 : i32
    %dma_wait3A_147 = arith.constant 0 : i32
    %dma_wait3A_148 = arith.constant 0 : i32
    %dma_wait3A_149 = tpu.memref_slice %arg11[%dma_wait3A_147, %dma_wait3A_148] : memref<800x64xf32, #tpu.memory_space<vmem>> -> memref<128x64xf32, #tpu.memory_space<vmem>>
    %dma_wait3A_150 = arith.constant 0 : i32
    %dma_wait3A_151 = tpu.memref_slice %arg9[%dma_wait3A_146, %dma_wait3A_150] : memref<2x128xi32, #tpu.memory_space<vmem>> -> memref<1x128xi32, #tpu.memory_space<vmem>>
    %dma_wait3A_152 = tpu.memref_squeeze %dma_wait3A_151 : memref<1x128xi32, #tpu.memory_space<vmem>> -> memref<128xi32, #tpu.memory_space<vmem>>
    %dma_wait3A_153 = arith.constant 0 : i32
    %dma_wait3A_154 = arith.constant 0 : i32
    %dma_wait3A_155 = tpu.memref_slice %arg2[%dma_wait3A_153, %dma_wait3A_154] : memref<1000001x64xf32, #tpu.memory_space<hbm>> -> memref<1000001x64xf32, #tpu.memory_space<hbm>>
    tpu.wait_indirect_dma semaphore(%arg12 : memref<!tpu.dma_semaphore, #tpu.memory_space<semaphore_mem>>) src(%dma_wait3A_155 : memref<1000001x64xf32, #tpu.memory_space<hbm>>) dst(%dma_wait3A_149 : memref<128x64xf32, #tpu.memory_space<vmem>>)
    "tpu.region"() ({
      %run_scoped3A_162 = tpu.sem_alloc : memref<!tpu.dma_semaphore, #tpu.memory_space<semaphore_mem>>
      %dma_start3A_163 = arith.constant 0 : i32
      %dma_start3A_164 = arith.constant 0 : i32
      %dma_start3A_165 = tpu.memref_slice %arg11[%dma_start3A_163, %dma_start3A_164] : memref<800x64xf32, #tpu.memory_space<vmem>> -> memref<128x64xf32, #tpu.memory_space<vmem>>
      %dma_start3A_166 = arith.constant 0 : i32
      %dma_start3A_167 = tpu.memref_slice %arg6[%multiple_of3A_135, %dma_start3A_166] : memref<8192x64xf32, #tpu.memory_space<hbm>> -> memref<128x64xf32, #tpu.memory_space<hbm>>
      %dma_start3A_168 = arith.constant 0 : i32
      %dma_start3A_169 = tpu.memref_slice %arg6[%multiple_of3A_135, %dma_start3A_168] : memref<8192x64xf32, #tpu.memory_space<hbm>> -> memref<128x64xf32, #tpu.memory_space<hbm>>
      %dma_start3A_170 = arith.constant 0 : i32
      %dma_start3A_171 = arith.constant 0 : i32
      %dma_start3A_172 = tpu.memref_slice %arg11[%dma_start3A_170, %dma_start3A_171] : memref<800x64xf32, #tpu.memory_space<vmem>> -> memref<128x64xf32, #tpu.memory_space<vmem>>
      tpu.enqueue_dma source(%dma_start3A_172 : memref<128x64xf32, #tpu.memory_space<vmem>>) target(%dma_start3A_169 : memref<128x64xf32, #tpu.memory_space<hbm>>) target_semaphore(%run_scoped3A_162 : memref<!tpu.dma_semaphore, #tpu.memory_space<semaphore_mem>>)
      %dma_wait3A_173 = arith.constant 0 : i32
      %dma_wait3A_174 = arith.constant 0 : i32
      %dma_wait3A_175 = tpu.memref_slice %arg11[%dma_wait3A_173, %dma_wait3A_174] : memref<800x64xf32, #tpu.memory_space<vmem>> -> memref<128x64xf32, #tpu.memory_space<vmem>>
      %dma_wait3A_176 = arith.constant 0 : i32
      %dma_wait3A_177 = tpu.memref_slice %arg6[%multiple_of3A_135, %dma_wait3A_176] : memref<8192x64xf32, #tpu.memory_space<hbm>> -> memref<128x64xf32, #tpu.memory_space<hbm>>
      %dma_wait3A_178 = arith.constant 0 : i32
      %dma_wait3A_179 = tpu.memref_slice %arg6[%multiple_of3A_135, %dma_wait3A_178] : memref<8192x64xf32, #tpu.memory_space<hbm>> -> memref<128x64xf32, #tpu.memory_space<hbm>>
      %dma_wait3A_180 = arith.constant 0 : i32
      %dma_wait3A_181 = arith.constant 0 : i32
      %dma_wait3A_182 = tpu.memref_slice %arg11[%dma_wait3A_180, %dma_wait3A_181] : memref<800x64xf32, #tpu.memory_space<vmem>> -> memref<128x64xf32, #tpu.memory_space<vmem>>
      tpu.wait_dma2 semaphore(%run_scoped3A_162 : memref<!tpu.dma_semaphore, #tpu.memory_space<semaphore_mem>>) src(%dma_wait3A_182 : memref<128x64xf32, #tpu.memory_space<vmem>>) dst(%dma_wait3A_179 : memref<128x64xf32, #tpu.memory_space<hbm>>)
      tpu.yield
    }) : () -> ()
    %dma_wait3A_156 = arith.constant 0 : i32
    %dma_wait3A_157 = arith.constant 0 : i32
    %dma_wait3A_158 = tpu.memref_slice %arg5[%dma_wait3A_156, %dma_wait3A_157] : memref<435200x64xf32, #tpu.memory_space<hbm>> -> memref<800x64xf32, #tpu.memory_space<hbm>>
    %dma_wait3A_159 = arith.constant 0 : i32
    %dma_wait3A_160 = arith.constant 0 : i32
    %dma_wait3A_161 = tpu.memref_slice %arg5[%dma_wait3A_159, %dma_wait3A_160] : memref<435200x64xf32, #tpu.memory_space<hbm>> -> memref<800x64xf32, #tpu.memory_space<hbm>>
    tpu.wait_dma2 semaphore(%arg13 : memref<!tpu.dma_semaphore, #tpu.memory_space<semaphore_mem>>) src(%arg10 : memref<800x64xf32, #tpu.memory_space<vmem>>) dst(%dma_wait3A_161 : memref<800x64xf32, #tpu.memory_space<hbm>>)
    return
  }
}

module attributes {stable_mosaic.version = 14 : i64} {
  func.func @_enc_body(%arg0: i32, %arg1: memref<3200x128xf32, #tpu.memory_space<vmem>>, %arg2: memref<64x64xf32, #tpu.memory_space<vmem>>, %arg3: memref<128x64xf32, #tpu.memory_space<vmem>>, %arg4: memref<1x64xf32, #tpu.memory_space<vmem>>, %arg5: memref<1x64xf32, #tpu.memory_space<vmem>>, %arg6: memref<1x1xf32, #tpu.memory_space<vmem>>, %arg7: memref<1x64xf32, #tpu.memory_space<vmem>>, %arg8: memref<1x1xf32, #tpu.memory_space<vmem>>, %arg9: memref<64x64xf32, #tpu.memory_space<vmem>>) attributes {dimension_semantics = [#tpu.dimension_semantics<arbitrary>], iteration_bounds = array<i64: 68>, scalar_prefetch = 0 : i64, scratch_operands = 0 : i64, tpu.core_type = #tpu.core_type<tc>, window_params = [{transform_indices = @transform_0, window_bounds = array<i64: 3200, 128>}, {transform_indices = @transform_1, window_bounds = array<i64: 64, 64>}, {pipeline_mode = #tpu.pipeline_mode<synchronous>, transform_indices = @transform_2, window_bounds = array<i64: 128, 64>}, {pipeline_mode = #tpu.pipeline_mode<synchronous>, transform_indices = @transform_3, window_bounds = array<i64: 1, 64>}, {pipeline_mode = #tpu.pipeline_mode<synchronous>, transform_indices = @transform_4, window_bounds = array<i64: 1, 64>}, {pipeline_mode = #tpu.pipeline_mode<synchronous>, transform_indices = @transform_5, window_bounds = array<i64: 1, 1>}, {pipeline_mode = #tpu.pipeline_mode<synchronous>, transform_indices = @transform_6, window_bounds = array<i64: 1, 64>}, {pipeline_mode = #tpu.pipeline_mode<synchronous>, transform_indices = @transform_7, window_bounds = array<i64: 1, 1>}, {transform_indices = @transform_8, window_bounds = array<i64: 64, 64>}]} {
    %get3A = arith.constant 0 : index
    %get3A_0 = arith.constant 0 : index
    %get3A_1 = vector.load %arg1[%get3A, %get3A_0] : memref<3200x128xf32, #tpu.memory_space<vmem>>, vector<3200x128xf32>
    %get3A_2 = arith.constant 0 : index
    %get3A_3 = arith.constant 0 : index
    %get3A_4 = vector.load %arg3[%get3A_2, %get3A_3] : memref<128x64xf32, #tpu.memory_space<vmem>>, vector<128x64xf32>
    %dot_general3A = arith.constant dense<0.000000e+00> : vector<3200x64xf32>
    %dot_general3A_5 = tpu.matmul %get3A_1, %get3A_4, %dot_general3A {dimension_numbers = #tpu.dot_dimension_numbers<[1], [0], [0], [1], [0, 0, 1, 1], [], []>, transpose_lhs_hint = false} : vector<3200x128xf32>, vector<128x64xf32>, vector<3200x64xf32> -> vector<3200x64xf32>
    %get3A_6 = arith.constant 0 : index
    %get3A_7 = arith.constant 0 : index
    %get3A_8 = vector.load %arg4[%get3A_6, %get3A_7] : memref<1x64xf32, #tpu.memory_space<vmem>>, vector<1x64xf32>
    %add3A = vector.broadcast %get3A_8 : vector<1x64xf32> to vector<3200x64xf32>
    %add3A_9 = arith.addf %dot_general3A_5, %add3A : vector<3200x64xf32>
    %gt3A = arith.constant 0.000000e+00 : f32
    %gt3A_10 = vector.broadcast %gt3A : f32 to vector<3200x64xf32>
    %gt3A_11 = arith.cmpf ogt, %add3A_9, %gt3A_10 : vector<3200x64xf32>
    %mul3A = arith.constant 0.00999999977 : f32
    %mul3A_12 = vector.broadcast %mul3A : f32 to vector<3200x64xf32>
    %mul3A_13 = arith.mulf %mul3A_12, %add3A_9 : vector<3200x64xf32>
    %select_n3A = arith.select %gt3A_11, %add3A_9, %mul3A_13 : vector<3200x64xi1>, vector<3200x64xf32>
    %get3A_14 = arith.constant 0 : index
    %get3A_15 = arith.constant 0 : index
    %get3A_16 = vector.load %arg5[%get3A_14, %get3A_15] : memref<1x64xf32, #tpu.memory_space<vmem>>, vector<1x64xf32>
    %mul3A_17 = vector.broadcast %get3A_16 : vector<1x64xf32> to vector<3200x64xf32>
    %mul3A_18 = arith.mulf %select_n3A, %mul3A_17 : vector<3200x64xf32>
    %reduce_sum3A = arith.constant dense<0.000000e+00> : vector<3200xf32>
    %reduce_sum3A_19 = vector.multi_reduction <add>, %mul3A_18, %reduce_sum3A [1] : vector<3200x64xf32> to vector<3200xf32>
    %broadcast_in_dim3A = vector.shape_cast %reduce_sum3A_19 : vector<3200xf32> to vector<3200x1xf32>
    %get3A_20 = arith.constant 0 : index
    %get3A_21 = arith.constant 0 : index
    %get3A_22 = vector.load %arg6[%get3A_20, %get3A_21] : memref<1x1xf32, #tpu.memory_space<vmem>>, vector<1x1xf32>
    %add3A_23 = vector.broadcast %get3A_22 : vector<1x1xf32> to vector<3200x1xf32>
    %add3A_24 = arith.addf %broadcast_in_dim3A, %add3A_23 : vector<3200x1xf32>
    %reduce_max3A = vector.shape_cast %add3A_24 : vector<3200x1xf32> to vector<1x3200x1xf32>
    %reduce_max3A_25 = arith.constant dense<0xFF800000> : vector<1xf32>
    %reduce_max3A_26 = vector.multi_reduction <maximumf>, %reduce_max3A, %reduce_max3A_25 [1, 2] : vector<1x3200x1xf32> to vector<1xf32>
    %reduce_max3A_27 = vector.shape_cast %reduce_max3A_26 : vector<1xf32> to vector<1x1x1xf32>
    %reduce_max3A_28 = vector.extract %reduce_max3A_27[0, 0, 0] : f32 from vector<1x1x1xf32>
    %sub3A = vector.broadcast %reduce_max3A_28 : f32 to vector<3200x1xf32>
    %sub3A_29 = arith.subf %add3A_24, %sub3A : vector<3200x1xf32>
    %exp3A = math.exp %sub3A_29 : vector<3200x1xf32>
    %iota3A = tpu.iota {dimensions = array<i32: 1>} : vector<64x3200xi32>
    %jit3A = arith.constant 50 : i32
    %div3A = vector.broadcast %jit3A : i32 to vector<64x3200xi32>
    %div3A_30 = arith.divsi %iota3A, %div3A : vector<64x3200xi32>
    %sign3A = arith.constant 0 : i32
    %sign3A_31 = vector.broadcast %sign3A : i32 to vector<64x3200xi32>
    %sign3A_32 = arith.cmpi sgt, %iota3A, %sign3A_31 : vector<64x3200xi32>
    %sign3A_33 = arith.extui %sign3A_32 : vector<64x3200xi1> to vector<64x3200xi32>
    %sign3A_34 = arith.constant 0 : i32
    %sign3A_35 = vector.broadcast %sign3A_34 : i32 to vector<64x3200xi32>
    %sign3A_36 = arith.cmpi slt, %iota3A, %sign3A_35 : vector<64x3200xi32>
    %sign3A_37 = arith.extui %sign3A_36 : vector<64x3200xi1> to vector<64x3200xi32>
    %sign3A_38 = arith.subi %sign3A_33, %sign3A_37 : vector<64x3200xi32>
    %sign3A_39 = arith.constant 0 : i32
    %sign3A_40 = arith.cmpi sgt, %jit3A, %sign3A_39 : i32
    %sign3A_41 = arith.extui %sign3A_40 : i1 to i32
    %sign3A_42 = arith.constant 0 : i32
    %sign3A_43 = arith.cmpi slt, %jit3A, %sign3A_42 : i32
    %sign3A_44 = arith.extui %sign3A_43 : i1 to i32
    %sign3A_45 = arith.subi %sign3A_41, %sign3A_44 : i32
    %ne3A = vector.broadcast %sign3A_45 : i32 to vector<64x3200xi32>
    %ne3A_46 = arith.cmpi ne, %sign3A_38, %ne3A : vector<64x3200xi32>
    %rem3A = vector.broadcast %jit3A : i32 to vector<64x3200xi32>
    %rem3A_47 = arith.remsi %iota3A, %rem3A : vector<64x3200xi32>
    %ne3A_48 = arith.constant 0 : i32
    %ne3A_49 = vector.broadcast %ne3A_48 : i32 to vector<64x3200xi32>
    %ne3A_50 = arith.cmpi ne, %rem3A_47, %ne3A_49 : vector<64x3200xi32>
    %and3A = arith.andi %ne3A_46, %ne3A_50 : vector<64x3200xi1>
    %sub3A_51 = arith.constant 1 : i32
    %sub3A_52 = vector.broadcast %sub3A_51 : i32 to vector<64x3200xi32>
    %sub3A_53 = arith.subi %div3A_30, %sub3A_52 : vector<64x3200xi32>
    %select_n3A_54 = arith.select %and3A, %sub3A_53, %div3A_30 : vector<64x3200xi1>, vector<64x3200xi32>
    %iota3A_55 = tpu.iota {dimensions = array<i32: 0>} : vector<64x3200xi32>
    %eq3A = arith.cmpi eq, %select_n3A_54, %iota3A_55 : vector<64x3200xi32>
    %convert_element_type3A = arith.extui %eq3A : vector<64x3200xi1> to vector<64x3200xi32>
    %convert_element_type3A_56 = arith.sitofp %convert_element_type3A : vector<64x3200xi32> to vector<64x3200xf32>
    %dot_general3A_57 = arith.constant dense<0.000000e+00> : vector<64x1xf32>
    %dot_general3A_58 = tpu.matmul %convert_element_type3A_56, %exp3A, %dot_general3A_57 {dimension_numbers = #tpu.dot_dimension_numbers<[1], [0], [0], [1], [0, 0, 1, 1], [], []>, transpose_lhs_hint = false} : vector<64x3200xf32>, vector<3200x1xf32>, vector<64x1xf32> -> vector<64x1xf32>
    %mul3A_59 = vector.broadcast %exp3A : vector<3200x1xf32> to vector<3200x64xf32>
    %mul3A_60 = arith.mulf %select_n3A, %mul3A_59 : vector<3200x64xf32>
    %dot_general3A_61 = arith.constant dense<0.000000e+00> : vector<64x64xf32>
    %dot_general3A_62 = tpu.matmul %convert_element_type3A_56, %mul3A_60, %dot_general3A_61 {dimension_numbers = #tpu.dot_dimension_numbers<[1], [0], [0], [1], [0, 0, 1, 1], [], []>, transpose_lhs_hint = false} : vector<64x3200xf32>, vector<3200x64xf32>, vector<64x64xf32> -> vector<64x64xf32>
    %div3A_63 = vector.broadcast %dot_general3A_58 : vector<64x1xf32> to vector<64x64xf32>
    %div3A_64 = arith.divf %dot_general3A_62, %div3A_63 : vector<64x64xf32>
    %get3A_65 = arith.constant 0 : index
    %get3A_66 = arith.constant 0 : index
    %get3A_67 = vector.load %arg7[%get3A_65, %get3A_66] : memref<1x64xf32, #tpu.memory_space<vmem>>, vector<1x64xf32>
    %mul3A_68 = vector.broadcast %get3A_67 : vector<1x64xf32> to vector<64x64xf32>
    %mul3A_69 = arith.mulf %div3A_64, %mul3A_68 : vector<64x64xf32>
    %reduce_sum3A_70 = arith.constant dense<0.000000e+00> : vector<64xf32>
    %reduce_sum3A_71 = vector.multi_reduction <add>, %mul3A_69, %reduce_sum3A_70 [1] : vector<64x64xf32> to vector<64xf32>
    %broadcast_in_dim3A_72 = vector.shape_cast %reduce_sum3A_71 : vector<64xf32> to vector<64x1xf32>
    %get3A_73 = arith.constant 0 : index
    %get3A_74 = arith.constant 0 : index
    %get3A_75 = vector.load %arg8[%get3A_73, %get3A_74] : memref<1x1xf32, #tpu.memory_space<vmem>>, vector<1x1xf32>
    %add3A_76 = vector.broadcast %get3A_75 : vector<1x1xf32> to vector<64x1xf32>
    %add3A_77 = arith.addf %broadcast_in_dim3A_72, %add3A_76 : vector<64x1xf32>
    %logistic3A = arith.negf %add3A_77 : vector<64x1xf32>
    %logistic3A_78 = math.exp %logistic3A : vector<64x1xf32>
    %logistic3A_79 = arith.constant 1.000000e+00 : f32
    %logistic3A_80 = vector.broadcast %logistic3A_79 : f32 to vector<64x1xf32>
    %logistic3A_81 = arith.addf %logistic3A_80, %logistic3A_78 : vector<64x1xf32>
    %logistic3A_82 = arith.divf %logistic3A_80, %logistic3A_81 : vector<64x1xf32>
    %mul3A_83 = vector.broadcast %logistic3A_82 : vector<64x1xf32> to vector<64x64xf32>
    %mul3A_84 = arith.mulf %mul3A_83, %div3A_64 : vector<64x64xf32>
    %sub3A_85 = arith.constant 1.000000e+00 : f32
    %sub3A_86 = vector.broadcast %sub3A_85 : f32 to vector<64x1xf32>
    %sub3A_87 = arith.subf %sub3A_86, %logistic3A_82 : vector<64x1xf32>
    %get3A_88 = arith.constant 0 : index
    %get3A_89 = arith.constant 0 : index
    %get3A_90 = vector.load %arg2[%get3A_88, %get3A_89] : memref<64x64xf32, #tpu.memory_space<vmem>>, vector<64x64xf32>
    %mul3A_91 = vector.broadcast %sub3A_87 : vector<64x1xf32> to vector<64x64xf32>
    %mul3A_92 = arith.mulf %mul3A_91, %get3A_90 : vector<64x64xf32>
    %add3A_93 = arith.addf %mul3A_84, %mul3A_92 : vector<64x64xf32>
    %tanh3A = math.tanh %add3A_93 : vector<64x64xf32>
    %swap3A = arith.constant 0 : index
    %swap3A_94 = arith.constant 0 : index
    %swap3A_95 = vector.load %arg9[%swap3A, %swap3A_94] : memref<64x64xf32, #tpu.memory_space<vmem>>, vector<64x64xf32>
    tpu.vector_store %arg9[%swap3A, %swap3A_94], %tanh3A {strides = array<i32>} : memref<64x64xf32, #tpu.memory_space<vmem>>, vector<64x64xf32>,
    return
  }
  func.func @transform_0(%arg0: i32) -> (i32, i32) {
    %c0_i32 = arith.constant 0 : i32
    %c0_i32_0 = arith.constant 0 : i32
    return %arg0, %c0_i32 : i32, i32
  }
  func.func @transform_1(%arg0: i32) -> (i32, i32) {
    %c0_i32 = arith.constant 0 : i32
    %c0_i32_0 = arith.constant 0 : i32
    return %arg0, %c0_i32 : i32, i32
  }
  func.func @transform_2(%arg0: i32) -> (i32, i32) {
    %c0_i32 = arith.constant 0 : i32
    %c0_i32_0 = arith.constant 0 : i32
    %c0_i32_1 = arith.constant 0 : i32
    return %c0_i32, %c0_i32_0 : i32, i32
  }
  func.func @transform_3(%arg0: i32) -> (i32, i32) {
    %c0_i32 = arith.constant 0 : i32
    %c0_i32_0 = arith.constant 0 : i32
    %c0_i32_1 = arith.constant 0 : i32
    return %c0_i32, %c0_i32_0 : i32, i32
  }
  func.func @transform_4(%arg0: i32) -> (i32, i32) {
    %c0_i32 = arith.constant 0 : i32
    %c0_i32_0 = arith.constant 0 : i32
    %c0_i32_1 = arith.constant 0 : i32
    return %c0_i32, %c0_i32_0 : i32, i32
  }
  func.func @transform_5(%arg0: i32) -> (i32, i32) {
    %c0_i32 = arith.constant 0 : i32
    %c0_i32_0 = arith.constant 0 : i32
    %c0_i32_1 = arith.constant 0 : i32
    return %c0_i32, %c0_i32_0 : i32, i32
  }
  func.func @transform_6(%arg0: i32) -> (i32, i32) {
    %c0_i32 = arith.constant 0 : i32
    %c0_i32_0 = arith.constant 0 : i32
    %c0_i32_1 = arith.constant 0 : i32
    return %c0_i32, %c0_i32_0 : i32, i32
  }
  func.func @transform_7(%arg0: i32) -> (i32, i32) {
    %c0_i32 = arith.constant 0 : i32
    %c0_i32_0 = arith.constant 0 : i32
    %c0_i32_1 = arith.constant 0 : i32
    return %c0_i32, %c0_i32_0 : i32, i32
  }
  func.func @transform_8(%arg0: i32) -> (i32, i32) {
    %c0_i32 = arith.constant 0 : i32
    %c0_i32_0 = arith.constant 0 : i32
    return %arg0, %c0_i32 : i32, i32
  }
}

module attributes {stable_mosaic.version = 14 : i64} {
  func.func @_head_body(%arg0: memref<4352x64xf32, #tpu.memory_space<vmem>>, %arg1: memref<128x256xf32, #tpu.memory_space<vmem>>, %arg2: memref<1x256xf32, #tpu.memory_space<vmem>>, %arg3: memref<256x128xf32, #tpu.memory_space<vmem>>, %arg4: memref<1x128xf32, #tpu.memory_space<vmem>>, %arg5: memref<1x128xf32, #tpu.memory_space<vmem>>, %arg6: memref<1x128xf32, #tpu.memory_space<vmem>>, %arg7: memref<128x1024xf32, #tpu.memory_space<vmem>>, %arg8: memref<256x1024xf32, #tpu.memory_space<vmem>>, %arg9: memref<1x1024xf32, #tpu.memory_space<vmem>>, %arg10: memref<1024x1xf32, #tpu.memory_space<vmem>>) attributes {dimension_semantics = [], scalar_prefetch = 0 : i64, scratch_operands = 0 : i64, tpu.core_type = #tpu.core_type<tc>} {
    %get3A = arith.constant 0 : index
    %get3A_0 = arith.constant 0 : index
    %get3A_1 = vector.load %arg0[%get3A, %get3A_0] : memref<4352x64xf32, #tpu.memory_space<vmem>>, vector<4352x64xf32>
    %slice3A = vector.extract_strided_slice %get3A_1 {offsets = [0, 0], sizes = [1024, 64], strides = [1, 1]} : vector<4352x64xf32> to vector<1024x64xf32>
    %slice3A_2 = vector.extract_strided_slice %get3A_1 {offsets = [1024, 0], sizes = [1024, 64], strides = [1, 1]} : vector<4352x64xf32> to vector<1024x64xf32>
    %add3A = arith.addf %slice3A, %slice3A_2 : vector<1024x64xf32>
    %mul3A = arith.constant 5.000000e-01 : f32
    %mul3A_3 = vector.broadcast %mul3A : f32 to vector<1024x64xf32>
    %mul3A_4 = arith.mulf %add3A, %mul3A_3 : vector<1024x64xf32>
    %slice3A_5 = vector.extract_strided_slice %get3A_1 {offsets = [2048, 0], sizes = [1024, 64], strides = [1, 1]} : vector<4352x64xf32> to vector<1024x64xf32>
    %slice3A_6 = vector.extract_strided_slice %get3A_1 {offsets = [3072, 0], sizes = [1024, 64], strides = [1, 1]} : vector<4352x64xf32> to vector<1024x64xf32>
    %add3A_7 = arith.addf %slice3A_5, %slice3A_6 : vector<1024x64xf32>
    %mul3A_8 = arith.constant 5.000000e-01 : f32
    %mul3A_9 = vector.broadcast %mul3A_8 : f32 to vector<1024x64xf32>
    %mul3A_10 = arith.mulf %add3A_7, %mul3A_9 : vector<1024x64xf32>
    %slice3A_11 = vector.extract_strided_slice %get3A_1 {offsets = [4096, 0], sizes = [64, 64], strides = [1, 1]} : vector<4352x64xf32> to vector<64x64xf32>
    %slice3A_12 = vector.extract_strided_slice %get3A_1 {offsets = [4160, 0], sizes = [64, 64], strides = [1, 1]} : vector<4352x64xf32> to vector<64x64xf32>
    %add3A_13 = arith.addf %slice3A_11, %slice3A_12 : vector<64x64xf32>
    %mul3A_14 = arith.constant 5.000000e-01 : f32
    %mul3A_15 = vector.broadcast %mul3A_14 : f32 to vector<64x64xf32>
    %mul3A_16 = arith.mulf %add3A_13, %mul3A_15 : vector<64x64xf32>
    %slice3A_17 = vector.extract_strided_slice %get3A_1 {offsets = [4224, 0], sizes = [64, 64], strides = [1, 1]} : vector<4352x64xf32> to vector<64x64xf32>
    %slice3A_18 = vector.extract_strided_slice %get3A_1 {offsets = [4288, 0], sizes = [64, 64], strides = [1, 1]} : vector<4352x64xf32> to vector<64x64xf32>
    %add3A_19 = arith.addf %slice3A_17, %slice3A_18 : vector<64x64xf32>
    %mul3A_20 = arith.constant 5.000000e-01 : f32
    %mul3A_21 = vector.broadcast %mul3A_20 : f32 to vector<64x64xf32>
    %mul3A_22 = arith.mulf %add3A_19, %mul3A_21 : vector<64x64xf32>
    %concatenate3A = tpu.concatenate %mul3A_4, %mul3A_10 in 1 : vector<1024x64xf32>, vector<1024x64xf32> -> vector<1024x128xf32>
    %concatenate3A_23 = tpu.concatenate %mul3A_16, %mul3A_22 in 1 : vector<64x64xf32>, vector<64x64xf32> -> vector<64x128xf32>
    %concatenate3A_24 = tpu.concatenate %concatenate3A_23, %concatenate3A in 0 : vector<64x128xf32>, vector<1024x128xf32> -> vector<1088x128xf32>
    %get3A_25 = arith.constant 0 : index
    %get3A_26 = arith.constant 0 : index
    %get3A_27 = vector.load %arg1[%get3A_25, %get3A_26] : memref<128x256xf32, #tpu.memory_space<vmem>>, vector<128x256xf32>
    %dot_general3A = arith.constant dense<0.000000e+00> : vector<1088x256xf32>
    %dot_general3A_28 = tpu.matmul %concatenate3A_24, %get3A_27, %dot_general3A {dimension_numbers = #tpu.dot_dimension_numbers<[1], [0], [0], [1], [0, 0, 1, 1], [], []>, transpose_lhs_hint = false} : vector<1088x128xf32>, vector<128x256xf32>, vector<1088x256xf32> -> vector<1088x256xf32>
    %get3A_29 = arith.constant 0 : index
    %get3A_30 = arith.constant 0 : index
    %get3A_31 = vector.load %arg2[%get3A_29, %get3A_30] : memref<1x256xf32, #tpu.memory_space<vmem>>, vector<1x256xf32>
    %add3A_32 = vector.broadcast %get3A_31 : vector<1x256xf32> to vector<1088x256xf32>
    %add3A_33 = arith.addf %dot_general3A_28, %add3A_32 : vector<1088x256xf32>
    %max3A = arith.constant 0.000000e+00 : f32
    %max3A_34 = vector.broadcast %max3A : f32 to vector<1088x256xf32>
    %max3A_35 = arith.maximumf %add3A_33, %max3A_34 : vector<1088x256xf32>
    %get3A_36 = arith.constant 0 : index
    %get3A_37 = arith.constant 0 : index
    %get3A_38 = vector.load %arg3[%get3A_36, %get3A_37] : memref<256x128xf32, #tpu.memory_space<vmem>>, vector<256x128xf32>
    %dot_general3A_39 = arith.constant dense<0.000000e+00> : vector<1088x128xf32>
    %dot_general3A_40 = tpu.matmul %max3A_35, %get3A_38, %dot_general3A_39 {dimension_numbers = #tpu.dot_dimension_numbers<[1], [0], [0], [1], [0, 0, 1, 1], [], []>, transpose_lhs_hint = false} : vector<1088x256xf32>, vector<256x128xf32>, vector<1088x128xf32> -> vector<1088x128xf32>
    %get3A_41 = arith.constant 0 : index
    %get3A_42 = arith.constant 0 : index
    %get3A_43 = vector.load %arg4[%get3A_41, %get3A_42] : memref<1x128xf32, #tpu.memory_space<vmem>>, vector<1x128xf32>
    %add3A_44 = vector.broadcast %get3A_43 : vector<1x128xf32> to vector<1088x128xf32>
    %add3A_45 = arith.addf %dot_general3A_40, %add3A_44 : vector<1088x128xf32>
    %add3A_46 = arith.addf %add3A_45, %concatenate3A_24 : vector<1088x128xf32>
    %reduce_sum3A = arith.constant dense<0.000000e+00> : vector<1088xf32>
    %reduce_sum3A_47 = vector.multi_reduction <add>, %add3A_46, %reduce_sum3A [1] : vector<1088x128xf32> to vector<1088xf32>
    %broadcast_in_dim3A = vector.shape_cast %reduce_sum3A_47 : vector<1088xf32> to vector<1088x1xf32>
    %div3A = arith.constant 1.280000e+02 : f32
    %div3A_48 = vector.broadcast %div3A : f32 to vector<1088x1xf32>
    %div3A_49 = arith.divf %broadcast_in_dim3A, %div3A_48 : vector<1088x1xf32>
    %sub3A = vector.broadcast %div3A_49 : vector<1088x1xf32> to vector<1088x128xf32>
    %sub3A_50 = arith.subf %add3A_46, %sub3A : vector<1088x128xf32>
    %integer_pow3A = arith.mulf %sub3A_50, %sub3A_50 : vector<1088x128xf32>
    %reduce_sum3A_51 = arith.constant dense<0.000000e+00> : vector<1088xf32>
    %reduce_sum3A_52 = vector.multi_reduction <add>, %integer_pow3A, %reduce_sum3A_51 [1] : vector<1088x128xf32> to vector<1088xf32>
    %broadcast_in_dim3A_53 = vector.shape_cast %reduce_sum3A_52 : vector<1088xf32> to vector<1088x1xf32>
    %div3A_54 = arith.constant 1.280000e+02 : f32
    %div3A_55 = vector.broadcast %div3A_54 : f32 to vector<1088x1xf32>
    %div3A_56 = arith.divf %broadcast_in_dim3A_53, %div3A_55 : vector<1088x1xf32>
    %sub3A_57 = vector.broadcast %div3A_49 : vector<1088x1xf32> to vector<1088x128xf32>
    %sub3A_58 = arith.subf %add3A_46, %sub3A_57 : vector<1088x128xf32>
    %add3A_59 = arith.constant 9.99999974E-6 : f32
    %add3A_60 = vector.broadcast %add3A_59 : f32 to vector<1088x1xf32>
    %add3A_61 = arith.addf %div3A_56, %add3A_60 : vector<1088x1xf32>
    %sqrt3A = math.sqrt %add3A_61 : vector<1088x1xf32>
    %div3A_62 = vector.broadcast %sqrt3A : vector<1088x1xf32> to vector<1088x128xf32>
    %div3A_63 = arith.divf %sub3A_58, %div3A_62 : vector<1088x128xf32>
    %get3A_64 = arith.constant 0 : index
    %get3A_65 = arith.constant 0 : index
    %get3A_66 = vector.load %arg5[%get3A_64, %get3A_65] : memref<1x128xf32, #tpu.memory_space<vmem>>, vector<1x128xf32>
    %mul3A_67 = vector.broadcast %get3A_66 : vector<1x128xf32> to vector<1088x128xf32>
    %mul3A_68 = arith.mulf %div3A_63, %mul3A_67 : vector<1088x128xf32>
    %get3A_69 = arith.constant 0 : index
    %get3A_70 = arith.constant 0 : index
    %get3A_71 = vector.load %arg6[%get3A_69, %get3A_70] : memref<1x128xf32, #tpu.memory_space<vmem>>, vector<1x128xf32>
    %add3A_72 = vector.broadcast %get3A_71 : vector<1x128xf32> to vector<1088x128xf32>
    %add3A_73 = arith.addf %mul3A_68, %add3A_72 : vector<1088x128xf32>
    %slice3A_74 = vector.extract_strided_slice %add3A_73 {offsets = [0, 0], sizes = [64, 128], strides = [1, 1]} : vector<1088x128xf32> to vector<64x128xf32>
    %reduce_sum3A_75 = arith.constant dense<0.000000e+00> : vector<128xf32>
    %reduce_sum3A_76 = vector.multi_reduction <add>, %slice3A_74, %reduce_sum3A_75 [0] : vector<64x128xf32> to vector<128xf32>
    %broadcast_in_dim3A_77 = vector.shape_cast %reduce_sum3A_76 : vector<128xf32> to vector<1x128xf32>
    %div3A_78 = arith.constant 6.400000e+01 : f32
    %div3A_79 = vector.broadcast %div3A_78 : f32 to vector<1x128xf32>
    %div3A_80 = arith.divf %broadcast_in_dim3A_77, %div3A_79 : vector<1x128xf32>
    %slice3A_81 = vector.extract_strided_slice %add3A_73 {offsets = [64, 0], sizes = [1024, 128], strides = [1, 1]} : vector<1088x128xf32> to vector<1024x128xf32>
    %broadcast_in_dim3A_82 = vector.shape_cast %div3A_80 : vector<1x128xf32> to vector<1x128xf32>
    %broadcast_in_dim3A_83 = vector.broadcast %broadcast_in_dim3A_82 : vector<1x128xf32> to vector<1024x128xf32>
    %broadcast_in_dim3A_84 = arith.constant 0.000000e+00 : f32
    %broadcast_in_dim3A_85 = vector.broadcast %broadcast_in_dim3A_84 : f32 to vector<1024x256xf32>
    %broadcast_in_dim3A_86 = arith.constant 0.000000e+00 : f32
    %broadcast_in_dim3A_87 = vector.broadcast %broadcast_in_dim3A_86 : f32 to vector<1024x256xf32>
    %get3A_88 = arith.constant 0 : index
    %get3A_89 = arith.constant 0 : index
    %get3A_90 = vector.load %arg7[%get3A_88, %get3A_89] : memref<128x1024xf32, #tpu.memory_space<vmem>>, vector<128x1024xf32>
    %dot_general3A_91 = arith.constant dense<0.000000e+00> : vector<1024x1024xf32>
    %dot_general3A_92 = tpu.matmul %slice3A_81, %get3A_90, %dot_general3A_91 {dimension_numbers = #tpu.dot_dimension_numbers<[1], [0], [0], [1], [0, 0, 1, 1], [], []>, transpose_lhs_hint = false} : vector<1024x128xf32>, vector<128x1024xf32>, vector<1024x1024xf32> -> vector<1024x1024xf32>
    %get3A_93 = arith.constant 0 : index
    %get3A_94 = arith.constant 0 : index
    %get3A_95 = vector.load %arg8[%get3A_93, %get3A_94] : memref<256x1024xf32, #tpu.memory_space<vmem>>, vector<256x1024xf32>
    %dot_general3A_96 = arith.constant dense<0.000000e+00> : vector<1024x1024xf32>
    %dot_general3A_97 = tpu.matmul %broadcast_in_dim3A_85, %get3A_95, %dot_general3A_96 {dimension_numbers = #tpu.dot_dimension_numbers<[1], [0], [0], [1], [0, 0, 1, 1], [], []>, transpose_lhs_hint = false} : vector<1024x256xf32>, vector<256x1024xf32>, vector<1024x1024xf32> -> vector<1024x1024xf32>
    %add3A_98 = arith.addf %dot_general3A_92, %dot_general3A_97 : vector<1024x1024xf32>
    %get3A_99 = arith.constant 0 : index
    %get3A_100 = arith.constant 0 : index
    %get3A_101 = vector.load %arg9[%get3A_99, %get3A_100] : memref<1x1024xf32, #tpu.memory_space<vmem>>, vector<1x1024xf32>
    %add3A_102 = vector.broadcast %get3A_101 : vector<1x1024xf32> to vector<1024x1024xf32>
    %add3A_103 = arith.addf %add3A_98, %add3A_102 : vector<1024x1024xf32>
    %slice3A_104 = vector.extract_strided_slice %add3A_103 {offsets = [0, 0], sizes = [1024, 256], strides = [1, 1]} : vector<1024x1024xf32> to vector<1024x256xf32>
    %logistic3A = arith.negf %slice3A_104 : vector<1024x256xf32>
    %logistic3A_105 = math.exp %logistic3A : vector<1024x256xf32>
    %logistic3A_106 = arith.constant 1.000000e+00 : f32
    %logistic3A_107 = vector.broadcast %logistic3A_106 : f32 to vector<1024x256xf32>
    %logistic3A_108 = arith.addf %logistic3A_107, %logistic3A_105 : vector<1024x256xf32>
    %logistic3A_109 = arith.divf %logistic3A_107, %logistic3A_108 : vector<1024x256xf32>
    %slice3A_110 = vector.extract_strided_slice %add3A_103 {offsets = [0, 256], sizes = [1024, 256], strides = [1, 1]} : vector<1024x1024xf32> to vector<1024x256xf32>
    %logistic3A_111 = arith.negf %slice3A_110 : vector<1024x256xf32>
    %logistic3A_112 = math.exp %logistic3A_111 : vector<1024x256xf32>
    %logistic3A_113 = arith.constant 1.000000e+00 : f32
    %logistic3A_114 = vector.broadcast %logistic3A_113 : f32 to vector<1024x256xf32>
    %logistic3A_115 = arith.addf %logistic3A_114, %logistic3A_112 : vector<1024x256xf32>
    %logistic3A_116 = arith.divf %logistic3A_114, %logistic3A_115 : vector<1024x256xf32>
    %slice3A_117 = vector.extract_strided_slice %add3A_103 {offsets = [0, 512], sizes = [1024, 256], strides = [1, 1]} : vector<1024x1024xf32> to vector<1024x256xf32>
    %tanh3A = math.tanh %slice3A_117 : vector<1024x256xf32>
    %slice3A_118 = vector.extract_strided_slice %add3A_103 {offsets = [0, 768], sizes = [1024, 256], strides = [1, 1]} : vector<1024x1024xf32> to vector<1024x256xf32>
    %logistic3A_119 = arith.negf %slice3A_118 : vector<1024x256xf32>
    %logistic3A_120 = math.exp %logistic3A_119 : vector<1024x256xf32>
    %logistic3A_121 = arith.constant 1.000000e+00 : f32
    %logistic3A_122 = vector.broadcast %logistic3A_121 : f32 to vector<1024x256xf32>
    %logistic3A_123 = arith.addf %logistic3A_122, %logistic3A_120 : vector<1024x256xf32>
    %logistic3A_124 = arith.divf %logistic3A_122, %logistic3A_123 : vector<1024x256xf32>
    %mul3A_125 = arith.mulf %logistic3A_116, %broadcast_in_dim3A_87 : vector<1024x256xf32>
    %mul3A_126 = arith.mulf %logistic3A_109, %tanh3A : vector<1024x256xf32>
    %add3A_127 = arith.addf %mul3A_125, %mul3A_126 : vector<1024x256xf32>
    %tanh3A_128 = math.tanh %add3A_127 : vector<1024x256xf32>
    %mul3A_129 = arith.mulf %logistic3A_124, %tanh3A_128 : vector<1024x256xf32>
    %slice3A_130 = vector.extract_strided_slice %mul3A_129 {offsets = [0, 0], sizes = [1024, 128], strides = [1, 1]} : vector<1024x256xf32> to vector<1024x128xf32>
    %add3A_131 = arith.addf %slice3A_81, %slice3A_130 : vector<1024x128xf32>
    %concatenate3A_132 = tpu.concatenate %add3A_131, %broadcast_in_dim3A_83 in 1 : vector<1024x128xf32>, vector<1024x128xf32> -> vector<1024x256xf32>
    %get3A_133 = arith.constant 0 : index
    %get3A_134 = arith.constant 0 : index
    %get3A_135 = vector.load %arg7[%get3A_133, %get3A_134] : memref<128x1024xf32, #tpu.memory_space<vmem>>, vector<128x1024xf32>
    %dot_general3A_136 = arith.constant dense<0.000000e+00> : vector<1024x1024xf32>
    %dot_general3A_137 = tpu.matmul %slice3A_81, %get3A_135, %dot_general3A_136 {dimension_numbers = #tpu.dot_dimension_numbers<[1], [0], [0], [1], [0, 0, 1, 1], [], []>, transpose_lhs_hint = false} : vector<1024x128xf32>, vector<128x1024xf32>, vector<1024x1024xf32> -> vector<1024x1024xf32>
    %get3A_138 = arith.constant 0 : index
    %get3A_139 = arith.constant 0 : index
    %get3A_140 = vector.load %arg8[%get3A_138, %get3A_139] : memref<256x1024xf32, #tpu.memory_space<vmem>>, vector<256x1024xf32>
    %dot_general3A_141 = arith.constant dense<0.000000e+00> : vector<1024x1024xf32>
    %dot_general3A_142 = tpu.matmul %concatenate3A_132, %get3A_140, %dot_general3A_141 {dimension_numbers = #tpu.dot_dimension_numbers<[1], [0], [0], [1], [0, 0, 1, 1], [], []>, transpose_lhs_hint = false} : vector<1024x256xf32>, vector<256x1024xf32>, vector<1024x1024xf32> -> vector<1024x1024xf32>
    %add3A_143 = arith.addf %dot_general3A_137, %dot_general3A_142 : vector<1024x1024xf32>
    %get3A_144 = arith.constant 0 : index
    %get3A_145 = arith.constant 0 : index
    %get3A_146 = vector.load %arg9[%get3A_144, %get3A_145] : memref<1x1024xf32, #tpu.memory_space<vmem>>, vector<1x1024xf32>
    %add3A_147 = vector.broadcast %get3A_146 : vector<1x1024xf32> to vector<1024x1024xf32>
    %add3A_148 = arith.addf %add3A_143, %add3A_147 : vector<1024x1024xf32>
    %slice3A_149 = vector.extract_strided_slice %add3A_148 {offsets = [0, 0], sizes = [1024, 256], strides = [1, 1]} : vector<1024x1024xf32> to vector<1024x256xf32>
    %logistic3A_150 = arith.negf %slice3A_149 : vector<1024x256xf32>
    %logistic3A_151 = math.exp %logistic3A_150 : vector<1024x256xf32>
    %logistic3A_152 = arith.constant 1.000000e+00 : f32
    %logistic3A_153 = vector.broadcast %logistic3A_152 : f32 to vector<1024x256xf32>
    %logistic3A_154 = arith.addf %logistic3A_153, %logistic3A_151 : vector<1024x256xf32>
    %logistic3A_155 = arith.divf %logistic3A_153, %logistic3A_154 : vector<1024x256xf32>
    %slice3A_156 = vector.extract_strided_slice %add3A_148 {offsets = [0, 256], sizes = [1024, 256], strides = [1, 1]} : vector<1024x1024xf32> to vector<1024x256xf32>
    %logistic3A_157 = arith.negf %slice3A_156 : vector<1024x256xf32>
    %logistic3A_158 = math.exp %logistic3A_157 : vector<1024x256xf32>
    %logistic3A_159 = arith.constant 1.000000e+00 : f32
    %logistic3A_160 = vector.broadcast %logistic3A_159 : f32 to vector<1024x256xf32>
    %logistic3A_161 = arith.addf %logistic3A_160, %logistic3A_158 : vector<1024x256xf32>
    %logistic3A_162 = arith.divf %logistic3A_160, %logistic3A_161 : vector<1024x256xf32>
    %slice3A_163 = vector.extract_strided_slice %add3A_148 {offsets = [0, 512], sizes = [1024, 256], strides = [1, 1]} : vector<1024x1024xf32> to vector<1024x256xf32>
    %tanh3A_164 = math.tanh %slice3A_163 : vector<1024x256xf32>
    %slice3A_165 = vector.extract_strided_slice %add3A_148 {offsets = [0, 768], sizes = [1024, 256], strides = [1, 1]} : vector<1024x1024xf32> to vector<1024x256xf32>
    %logistic3A_166 = arith.negf %slice3A_165 : vector<1024x256xf32>
    %logistic3A_167 = math.exp %logistic3A_166 : vector<1024x256xf32>
    %logistic3A_168 = arith.constant 1.000000e+00 : f32
    %logistic3A_169 = vector.broadcast %logistic3A_168 : f32 to vector<1024x256xf32>
    %logistic3A_170 = arith.addf %logistic3A_169, %logistic3A_167 : vector<1024x256xf32>
    %logistic3A_171 = arith.divf %logistic3A_169, %logistic3A_170 : vector<1024x256xf32>
    %mul3A_172 = arith.mulf %logistic3A_162, %add3A_127 : vector<1024x256xf32>
    %mul3A_173 = arith.mulf %logistic3A_155, %tanh3A_164 : vector<1024x256xf32>
    %add3A_174 = arith.addf %mul3A_172, %mul3A_173 : vector<1024x256xf32>
    %tanh3A_175 = math.tanh %add3A_174 : vector<1024x256xf32>
    %mul3A_176 = arith.mulf %logistic3A_171, %tanh3A_175 : vector<1024x256xf32>
    %slice3A_177 = vector.extract_strided_slice %mul3A_176 {offsets = [0, 0], sizes = [1024, 128], strides = [1, 1]} : vector<1024x256xf32> to vector<1024x128xf32>
    %add3A_178 = arith.addf %slice3A_81, %slice3A_177 : vector<1024x128xf32>
    %concatenate3A_179 = tpu.concatenate %add3A_178, %broadcast_in_dim3A_83 in 1 : vector<1024x128xf32>, vector<1024x128xf32> -> vector<1024x256xf32>
    %get3A_180 = arith.constant 0 : index
    %get3A_181 = arith.constant 0 : index
    %get3A_182 = vector.load %arg7[%get3A_180, %get3A_181] : memref<128x1024xf32, #tpu.memory_space<vmem>>, vector<128x1024xf32>
    %dot_general3A_183 = arith.constant dense<0.000000e+00> : vector<1024x1024xf32>
    %dot_general3A_184 = tpu.matmul %slice3A_81, %get3A_182, %dot_general3A_183 {dimension_numbers = #tpu.dot_dimension_numbers<[1], [0], [0], [1], [0, 0, 1, 1], [], []>, transpose_lhs_hint = false} : vector<1024x128xf32>, vector<128x1024xf32>, vector<1024x1024xf32> -> vector<1024x1024xf32>
    %get3A_185 = arith.constant 0 : index
    %get3A_186 = arith.constant 0 : index
    %get3A_187 = vector.load %arg8[%get3A_185, %get3A_186] : memref<256x1024xf32, #tpu.memory_space<vmem>>, vector<256x1024xf32>
    %dot_general3A_188 = arith.constant dense<0.000000e+00> : vector<1024x1024xf32>
    %dot_general3A_189 = tpu.matmul %concatenate3A_179, %get3A_187, %dot_general3A_188 {dimension_numbers = #tpu.dot_dimension_numbers<[1], [0], [0], [1], [0, 0, 1, 1], [], []>, transpose_lhs_hint = false} : vector<1024x256xf32>, vector<256x1024xf32>, vector<1024x1024xf32> -> vector<1024x1024xf32>
    %add3A_190 = arith.addf %dot_general3A_184, %dot_general3A_189 : vector<1024x1024xf32>
    %get3A_191 = arith.constant 0 : index
    %get3A_192 = arith.constant 0 : index
    %get3A_193 = vector.load %arg9[%get3A_191, %get3A_192] : memref<1x1024xf32, #tpu.memory_space<vmem>>, vector<1x1024xf32>
    %add3A_194 = vector.broadcast %get3A_193 : vector<1x1024xf32> to vector<1024x1024xf32>
    %add3A_195 = arith.addf %add3A_190, %add3A_194 : vector<1024x1024xf32>
    %slice3A_196 = vector.extract_strided_slice %add3A_195 {offsets = [0, 0], sizes = [1024, 256], strides = [1, 1]} : vector<1024x1024xf32> to vector<1024x256xf32>
    %logistic3A_197 = arith.negf %slice3A_196 : vector<1024x256xf32>
    %logistic3A_198 = math.exp %logistic3A_197 : vector<1024x256xf32>
    %logistic3A_199 = arith.constant 1.000000e+00 : f32
    %logistic3A_200 = vector.broadcast %logistic3A_199 : f32 to vector<1024x256xf32>
    %logistic3A_201 = arith.addf %logistic3A_200, %logistic3A_198 : vector<1024x256xf32>
    %logistic3A_202 = arith.divf %logistic3A_200, %logistic3A_201 : vector<1024x256xf32>
    %slice3A_203 = vector.extract_strided_slice %add3A_195 {offsets = [0, 256], sizes = [1024, 256], strides = [1, 1]} : vector<1024x1024xf32> to vector<1024x256xf32>
    %logistic3A_204 = arith.negf %slice3A_203 : vector<1024x256xf32>
    %logistic3A_205 = math.exp %logistic3A_204 : vector<1024x256xf32>
    %logistic3A_206 = arith.constant 1.000000e+00 : f32
    %logistic3A_207 = vector.broadcast %logistic3A_206 : f32 to vector<1024x256xf32>
    %logistic3A_208 = arith.addf %logistic3A_207, %logistic3A_205 : vector<1024x256xf32>
    %logistic3A_209 = arith.divf %logistic3A_207, %logistic3A_208 : vector<1024x256xf32>
    %slice3A_210 = vector.extract_strided_slice %add3A_195 {offsets = [0, 512], sizes = [1024, 256], strides = [1, 1]} : vector<1024x1024xf32> to vector<1024x256xf32>
    %tanh3A_211 = math.tanh %slice3A_210 : vector<1024x256xf32>
    %slice3A_212 = vector.extract_strided_slice %add3A_195 {offsets = [0, 768], sizes = [1024, 256], strides = [1, 1]} : vector<1024x1024xf32> to vector<1024x256xf32>
    %logistic3A_213 = arith.negf %slice3A_212 : vector<1024x256xf32>
    %logistic3A_214 = math.exp %logistic3A_213 : vector<1024x256xf32>
    %logistic3A_215 = arith.constant 1.000000e+00 : f32
    %logistic3A_216 = vector.broadcast %logistic3A_215 : f32 to vector<1024x256xf32>
    %logistic3A_217 = arith.addf %logistic3A_216, %logistic3A_214 : vector<1024x256xf32>
    %logistic3A_218 = arith.divf %logistic3A_216, %logistic3A_217 : vector<1024x256xf32>
    %mul3A_219 = arith.mulf %logistic3A_209, %add3A_174 : vector<1024x256xf32>
    %mul3A_220 = arith.mulf %logistic3A_202, %tanh3A_211 : vector<1024x256xf32>
    %add3A_221 = arith.addf %mul3A_219, %mul3A_220 : vector<1024x256xf32>
    %tanh3A_222 = math.tanh %add3A_221 : vector<1024x256xf32>
    %mul3A_223 = arith.mulf %logistic3A_218, %tanh3A_222 : vector<1024x256xf32>
    %slice3A_224 = vector.extract_strided_slice %mul3A_223 {offsets = [0, 0], sizes = [1024, 128], strides = [1, 1]} : vector<1024x256xf32> to vector<1024x128xf32>
    %add3A_225 = arith.addf %slice3A_81, %slice3A_224 : vector<1024x128xf32>
    %concatenate3A_226 = tpu.concatenate %add3A_225, %broadcast_in_dim3A_83 in 1 : vector<1024x128xf32>, vector<1024x128xf32> -> vector<1024x256xf32>
    %get3A_227 = arith.constant 0 : index
    %get3A_228 = arith.constant 0 : index
    %get3A_229 = vector.load %arg7[%get3A_227, %get3A_228] : memref<128x1024xf32, #tpu.memory_space<vmem>>, vector<128x1024xf32>
    %dot_general3A_230 = arith.constant dense<0.000000e+00> : vector<1024x1024xf32>
    %dot_general3A_231 = tpu.matmul %slice3A_81, %get3A_229, %dot_general3A_230 {dimension_numbers = #tpu.dot_dimension_numbers<[1], [0], [0], [1], [0, 0, 1, 1], [], []>, transpose_lhs_hint = false} : vector<1024x128xf32>, vector<128x1024xf32>, vector<1024x1024xf32> -> vector<1024x1024xf32>
    %get3A_232 = arith.constant 0 : index
    %get3A_233 = arith.constant 0 : index
    %get3A_234 = vector.load %arg8[%get3A_232, %get3A_233] : memref<256x1024xf32, #tpu.memory_space<vmem>>, vector<256x1024xf32>
    %dot_general3A_235 = arith.constant dense<0.000000e+00> : vector<1024x1024xf32>
    %dot_general3A_236 = tpu.matmul %concatenate3A_226, %get3A_234, %dot_general3A_235 {dimension_numbers = #tpu.dot_dimension_numbers<[1], [0], [0], [1], [0, 0, 1, 1], [], []>, transpose_lhs_hint = false} : vector<1024x256xf32>, vector<256x1024xf32>, vector<1024x1024xf32> -> vector<1024x1024xf32>
    %add3A_237 = arith.addf %dot_general3A_231, %dot_general3A_236 : vector<1024x1024xf32>
    %get3A_238 = arith.constant 0 : index
    %get3A_239 = arith.constant 0 : index
    %get3A_240 = vector.load %arg9[%get3A_238, %get3A_239] : memref<1x1024xf32, #tpu.memory_space<vmem>>, vector<1x1024xf32>
    %add3A_241 = vector.broadcast %get3A_240 : vector<1x1024xf32> to vector<1024x1024xf32>
    %add3A_242 = arith.addf %add3A_237, %add3A_241 : vector<1024x1024xf32>
    %slice3A_243 = vector.extract_strided_slice %add3A_242 {offsets = [0, 0], sizes = [1024, 256], strides = [1, 1]} : vector<1024x1024xf32> to vector<1024x256xf32>
    %logistic3A_244 = arith.negf %slice3A_243 : vector<1024x256xf32>
    %logistic3A_245 = math.exp %logistic3A_244 : vector<1024x256xf32>
    %logistic3A_246 = arith.constant 1.000000e+00 : f32
    %logistic3A_247 = vector.broadcast %logistic3A_246 : f32 to vector<1024x256xf32>
    %logistic3A_248 = arith.addf %logistic3A_247, %logistic3A_245 : vector<1024x256xf32>
    %logistic3A_249 = arith.divf %logistic3A_247, %logistic3A_248 : vector<1024x256xf32>
    %slice3A_250 = vector.extract_strided_slice %add3A_242 {offsets = [0, 256], sizes = [1024, 256], strides = [1, 1]} : vector<1024x1024xf32> to vector<1024x256xf32>
    %logistic3A_251 = arith.negf %slice3A_250 : vector<1024x256xf32>
    %logistic3A_252 = math.exp %logistic3A_251 : vector<1024x256xf32>
    %logistic3A_253 = arith.constant 1.000000e+00 : f32
    %logistic3A_254 = vector.broadcast %logistic3A_253 : f32 to vector<1024x256xf32>
    %logistic3A_255 = arith.addf %logistic3A_254, %logistic3A_252 : vector<1024x256xf32>
    %logistic3A_256 = arith.divf %logistic3A_254, %logistic3A_255 : vector<1024x256xf32>
    %slice3A_257 = vector.extract_strided_slice %add3A_242 {offsets = [0, 512], sizes = [1024, 256], strides = [1, 1]} : vector<1024x1024xf32> to vector<1024x256xf32>
    %tanh3A_258 = math.tanh %slice3A_257 : vector<1024x256xf32>
    %slice3A_259 = vector.extract_strided_slice %add3A_242 {offsets = [0, 768], sizes = [1024, 256], strides = [1, 1]} : vector<1024x1024xf32> to vector<1024x256xf32>
    %logistic3A_260 = arith.negf %slice3A_259 : vector<1024x256xf32>
    %logistic3A_261 = math.exp %logistic3A_260 : vector<1024x256xf32>
    %logistic3A_262 = arith.constant 1.000000e+00 : f32
    %logistic3A_263 = vector.broadcast %logistic3A_262 : f32 to vector<1024x256xf32>
    %logistic3A_264 = arith.addf %logistic3A_263, %logistic3A_261 : vector<1024x256xf32>
    %logistic3A_265 = arith.divf %logistic3A_263, %logistic3A_264 : vector<1024x256xf32>
    %mul3A_266 = arith.mulf %logistic3A_256, %add3A_221 : vector<1024x256xf32>
    %mul3A_267 = arith.mulf %logistic3A_249, %tanh3A_258 : vector<1024x256xf32>
    %add3A_268 = arith.addf %mul3A_266, %mul3A_267 : vector<1024x256xf32>
    %tanh3A_269 = math.tanh %add3A_268 : vector<1024x256xf32>
    %mul3A_270 = arith.mulf %logistic3A_265, %tanh3A_269 : vector<1024x256xf32>
    %slice3A_271 = vector.extract_strided_slice %mul3A_270 {offsets = [0, 0], sizes = [1024, 128], strides = [1, 1]} : vector<1024x256xf32> to vector<1024x128xf32>
    %add3A_272 = arith.addf %slice3A_81, %slice3A_271 : vector<1024x128xf32>
    %mul3A_273 = vector.broadcast %div3A_80 : vector<1x128xf32> to vector<1024x128xf32>
    %mul3A_274 = arith.mulf %add3A_272, %mul3A_273 : vector<1024x128xf32>
    %reduce_sum3A_275 = arith.constant dense<0.000000e+00> : vector<1024xf32>
    %reduce_sum3A_276 = vector.multi_reduction <add>, %mul3A_274, %reduce_sum3A_275 [1] : vector<1024x128xf32> to vector<1024xf32>
    %broadcast_in_dim3A_277 = vector.shape_cast %reduce_sum3A_276 : vector<1024xf32> to vector<1024x1xf32>
    %swap3A = arith.constant 0 : index
    %swap3A_278 = arith.constant 0 : index
    %swap3A_279 = vector.load %arg10[%swap3A, %swap3A_278] : memref<1024x1xf32, #tpu.memory_space<vmem>>, vector<1024x1xf32>
    tpu.vector_store %arg10[%swap3A, %swap3A_278], %broadcast_in_dim3A_277 {strides = array<i32>} : memref<1024x1xf32, #tpu.memory_space<vmem>>, vector<1024x1xf32>,
    return
  }
}

</mosaic_0001>

<sc_bundles>
// kernel: kernel.5.cloned.1.call-start
scs
__scs_entry_jumppad:
0x0: {  	(pc) =	sbr.rel $0x88, $3  }
0x1: {  	(tag) =	ssettag $0x0;
	lr =	simm.s32 $0x1  }
0x2: {  	[smem:$0x3F84] =	sst lr;
	_ =	strace $0xD0000000  }
0x3: {  	_ = 	snop  }
0x4: {  	_ = 	snop  }
0x5: {  	_ = 	snop  }
0x6: {  	_ = 	snop  }
0x7: {  	_ = 	snop  }
__scs_overlays_trampoline_lowered:
0x8: {  	[smem:$0x3F93] =	sst s0  }
0x9: {  	[smem:$0x3F94] =	sst s1  }
0xa: {  	[smem:$0x3F95] =	sst s2  }
0xb: {  	[smem:$0x3F96] =	sst s3  }
0xc: {  	[smem:$0x3F97] =	sst s4  }
0xd: {  	[smem:$0x3F98] =	sst s5  }
0xe: {  	[smem:$0x3F99] =	sst s6  }
0xf: {  	[smem:$0x3F9A] =	sst s7  }
0x10: {  	[smem:$0x3F9B] =	sst s8  }
0x11: {  	[smem:$0x3F9C] =	sst s9;
	s0 =	simm.s32 @!p0 $0x0  }
0x12: {  	s1 =	sld [smem:$0x3F82];
	s0 =	simm.s32 @p0 $0x1  }
0x13: {  	[smem:$0x3F9D] =	sst s0;
	s0 =	simm.s32 @!p1 $0x0  }
0x14: {  	s2 =	sld [smem:$0x3F81];
	s0 =	simm.s32 @p1 $0x1  }
0x15: {  	[smem:$0x3F9E] =	sst s0;
	s0 =	simm.s32 @!p2 $0x0  }
0x16: {  	s3 =	sld [smem:$0x3FDB];
	s0 =	simm.s32 @p2 $0x1  }
0x17: {  	s4 =	simm.s32 $0x1BF5;
	[smem:$0x3FA0] =	sst s0  }
0x18: {  	s0 =	sld [smem:$0x3F83];
	_ =	swait.ge [sflag:s4], $0x0  }
0x19: {  	s7 =	sld [smem:$0x3F84]  }
0x1a: {  	s8 =	sadd.s32 $0xFFFFE003, lr  }
0x1b: {  	s9 =	sadd.s32 $0xFFFFFEF7, lr;
	s5 =	simm.s32 $0xFFFFFFFF;
	p2 =	slt.u32 s8, $0xFFFFF086  }
0x1c: {  	p1 =	slt.u32 s9, $0xF7A;
	s5 =	simm.s32 @!p2 $0x0  }
0x1d: {  	s5 =	simm.s32 @p1 $0x1;
	p0 =	seq.s32 s7, s2  }
0x1e: {  	s7 =	smul.u32 @!p0 $0xF7A, s2;
	p2 =	seq.s32 @!p0 s5, $0x0  }
0x1f: {  	s9 =	smul.u32 $0xF7A, s1;
	s8 =	simm.s32 @!p0 $0x1BF5;
	p2 =	por !p2, p0  }
0x20: {  	[sflag:s8] =	ssyncset.s32 @!p0 $0xFFFFF086;
	s6 =	sadd.s32 @!p0 s3, s7;
	s7 =	simm.s32 @!p0 $0x108  }
0x21: {  	s3 =	sadd.s32 s3, s9;
	s6 =	sadd.s32 @!p0 $0x88, s6;
	s7 =	simm.s32 @p2 $0x1082  }
0x22: {  	[simem:s7], [sflag:s8] =	dma.local @!p0 [hbm:s6], $0xF7A  }
0x23: {  	s9 =	sor.u32 $0xD0000000, s2;
	s6 =	simm.s32 $0x108;
	_ =	swait.ge @!p0 [sflag:s8], $0x0  }
0x24: {  	s3 =	sadd.s32 $0x88, s3;
	s6 =	simm.s32 @!p1 $0x1082;
	[sflag:s4] =	ssyncset.s32 $0xFFFFF086  }
0x25: {  	[simem:s6], [sflag:s4] =	dma.local [hbm:s3], $0xF7A  }
0x26: {  	[smem:$0x3F84] =	sst s1;
	(tag) =	ssettag s2;
	_ =	strace s9  }
0x27: {  	s1 =	sld [smem:$0x3F94]  }
0x28: {  	s2 =	sld [smem:$0x3F95]  }
0x29: {  	s4 =	sld [smem:$0x3F97]  }
0x2a: {  	p0 =	seq.s32 s5, $0x0;
	s5 =	sld [smem:$0x3F98]  }
0x2b: {  	s6 =	sld [smem:$0x3F99]  }
0x2c: {  	s7 =	sld [smem:$0x3F9A]  }
0x2d: {  	s3 =	simm.s32 $0x108;
	s8 =	sld [smem:$0x3F9B]  }
0x2e: {  	s3 =	simm.s32 @!p0 $0x1082;
	s9 =	sld [smem:$0x3F9C]  }
0x2f: {  	lr =	sadd.s32 s0, s3;
	s0 =	sld [smem:$0x3F93]  }
0x30: {  	s3 =	sld [smem:$0x3F96]  }
0x31: {  	[smem:$0x3F9F] =	sst s10  }
0x32: {  	s10 =	sld [smem:$0x3F9D];
	_ =	sdelay $0x3  }
0x33: {  	p0 =	seq.s32 s10, $0x1;
	s10 =	sld [smem:$0x3F9F];
	_ =	sdelay $0x3  }
0x34: {  	[smem:$0x3F9F] =	sst s10  }
0x35: {  	s10 =	sld [smem:$0x3F9E];
	_ =	sdelay $0x3  }
0x36: {  	p1 =	seq.s32 s10, $0x1;
	s10 =	sld [smem:$0x3F9F];
	_ =	sdelay $0x3  }
0x37: {  	[smem:$0x3F9F] =	sst s10  }
0x38: {  	s10 =	sld [smem:$0x3FA0]  }
0x39: {  	_ = 	snop;
	(pc) =	sbr.ind lr, $3  }
0x3a: {  	_ = 	snop  }
0x3b: {  	_ = 	snop  }
0x3c: {  	p2 =	seq.s32 s10, $0x1;
	s10 =	sld [smem:$0x3F9F]  }
0x3d: {  	_ =	shalt  }
0x3e: {  	_ =	shalt  }
0x3f: {  	_ =	shalt  }
0x40: {  	_ =	shalt  }
0x41: {  	_ =	shalt  }
0x42: {  	_ =	shalt  }
0x43: {  	_ =	shalt  }
0x44: {  	_ =	shalt  }
0x45: {  	_ =	shalt  }
0x46: {  	_ =	shalt  }
0x47: {  	_ =	shalt  }
0x48: {  	_ =	shalt  }
0x49: {  	_ =	shalt  }
0x4a: {  	_ =	shalt  }
0x4b: {  	_ =	shalt  }
0x4c: {  	_ =	shalt  }
0x4d: {  	_ =	shalt  }
0x4e: {  	_ =	shalt  }
0x4f: {  	_ =	shalt  }
0x50: {  	_ =	shalt  }
0x51: {  	_ =	shalt  }
0x52: {  	_ =	shalt  }
0x53: {  	_ =	shalt  }
0x54: {  	_ =	shalt  }
0x55: {  	_ =	shalt  }
0x56: {  	_ =	shalt  }
0x57: {  	_ =	shalt  }
0x58: {  	_ =	shalt  }
0x59: {  	_ =	shalt  }
0x5a: {  	_ =	shalt  }
0x5b: {  	_ =	shalt  }
0x5c: {  	_ =	shalt  }
0x5d: {  	_ =	shalt  }
0x5e: {  	_ =	shalt  }
0x5f: {  	_ =	shalt  }
0x60: {  	_ =	shalt  }
0x61: {  	_ =	shalt  }
0x62: {  	_ =	shalt  }
0x63: {  	_ =	shalt  }
0x64: {  	_ =	shalt  }
0x65: {  	_ =	shalt  }
0x66: {  	_ =	shalt  }
0x67: {  	_ =	shalt  }
0x68: {  	_ =	shalt  }
0x69: {  	_ =	shalt  }
0x6a: {  	_ =	shalt  }
0x6b: {  	_ =	shalt  }
0x6c: {  	_ =	shalt  }
0x6d: {  	_ =	shalt  }
0x6e: {  	_ =	shalt  }
0x6f: {  	_ =	shalt  }
0x70: {  	_ =	shalt  }
0x71: {  	_ =	shalt  }
0x72: {  	_ =	shalt  }
0x73: {  	_ =	shalt  }
0x74: {  	_ =	shalt  }
0x75: {  	_ =	shalt  }
0x76: {  	_ =	shalt  }
0x77: {  	_ =	shalt  }
0x78: {  	_ =	shalt  }
0x79: {  	_ =	shalt  }
0x7a: {  	_ =	shalt  }
0x7b: {  	_ =	shalt  }
0x7c: {  	_ =	shalt  }
0x7d: {  	_ =	shalt  }
0x7e: {  	_ =	shalt  }
0x7f: {  	_ =	shalt  }
0x80: {  	_ =	shalt  }
0x81: {  	_ =	shalt  }
0x82: {  	_ =	shalt  }
0x83: {  	_ =	shalt  }
0x84: {  	_ =	shalt  }
0x85: {  	_ =	shalt  }
0x86: {  	_ =	shalt  }
0x87: {  	_ =	shalt  }
.Lfunc_end0:
.L_simem_size_0:
called_computation_lowered:
.L_overlay_start_0:
0x88: {  	s2 =	sld [smem:$0x3FD9]  }
0x89: {  	s3 =	sld [smem:$0x3FFE];
	_ =	sdelay $0x1  }
0x8a: {  	s1 =	srdreg.scid  }
0x8b: {  	s0 =	sand.u32 $0x1, s1  }
0x8c: {  	s16 =	sshll.u32 s0, $0xA;
	s2 =	sadd.s32 s3, s2  }
0x8d: {  	s2 =	sadd.s32 s2, s16  }
0x8e: {  	[smem:$0x3FAB] =	sst s2  }
0x8f: {  	_ = 	snop  }
0x90: {  	(tm) =	ssettm $0x1  }
0x91: {  	s17 =	sld [smem:$0x3FFB];
	_ =	sdelay $0x3  }
0x92: {  	_ =	strace s17  }
0x93: {  	s2 =	sld [smem:$0x3FFC];
	_ =	sdelay $0x3  }
0x94: {  	_ =	strace s2  }
0x95: {  	s2 =	sld [smem:$0x3FFD];
	_ =	sdelay $0x3  }
0x96: {  	_ =	strace s2  }
0x97: {  	_ =	strace $0x8FFFFFFF  }
0x98: {  	s18 =	sld [smem:$0x3FDB];
	_ =	sdelay $0x1  }
0x99: {  	s19 =	simm.s32 $_scs_section_size  }
0x9a: {  	s4 =	simm.s32 $_size__tile_overlayer_lowered;
	s5 =	simm.s32 $_tile_overlayer_lowered  }
0x9b: {  	s22 =	simm.s32 $0x1BFF;
	s21 =	sshll.u32 s5, $0x1;
	s2 =	sadd.s32 s19, s18  }
0x9c: {  	s6 =	simm.s32 $0x0;
	s20 =	sshll.u32 s4, $0x1;
	s4 =	sadd.s32 s21, s2  }
0x9d: {  	[timem:s6], [sflag:s22] =	dma.local [hbm:s4], s20  }
0x9e: {  	_ =	swait.ge [sflag:s22], s20  }
0x9f: {  	s3 =	ssub.s32 $0x0, s20;
	[sflag:s22] =	ssyncset.done $0x0  }
0xa0: {  	[sflag:s22] =	ssyncadd.s32 s3;
	_ =	sdelay $0x1  }
0xa1: {  	s23 =	simm.s32 $0x1B8B  }
0xa2: {  	_ =	swait.ge [sflag:s23], $0x1  }
0xa3: {  	[sflag:s23] =	ssyncset.done $0x0  }
0xa4: {  	s25 =	simm.s32 $0x1B8E;
	s24 =	sld [smem:$0x3FFE];
	[sflag:s23] =	ssyncadd.s32 $0xFFFFFFFF  }
0xa5: {  	s26 =	simm.s32 $execute0_lowered;
	[smem:$0x3FD2] =	sst s25  }
0xa6: {  	s4 =	sshll.u32 s26, $0x1;
	_ =	strace $0x80000046;
	[dreg:$0x1] =	wrdreg $0xFFFFFFFF  }
0xa7: {  	s28 =	simm.s32 $_size_execute0_lowered;
	s2 =	sadd.s32 s2, s4;
	[dreg:$0x0] =	wrdreg $0x0  }
0xa8: {  	s4 =	sshll.u32 s28, $0x1;
	[dreg:$0x2] =	wrdreg s2  }
0xa9: {  	[dreg:$0x3] =	wrdreg s4  }
0xaa: {  	[dreg:$0x4] =	wrdreg $0xC0  }
0xab: {  	_ =	task [dreg:s6], $0x5FFFF  }
0xac: {  	[dreg:$0x1] =	wrdreg $0xFFFFFFFF  }
0xad: {  	[dreg:$0x0] =	wrdreg $0x60  }
0xae: {  	[dreg:$0x2] =	wrdreg s24  }
0xaf: {  	[dreg:$0x3] =	wrdreg $0x9  }
0xb0: {  	_ =	task.clear_ibuf [dreg:s6], $0x4FFFF;
	_ =	strace $0x90000046  }
0xb1: {  	s29 =	simm.s32 $0x9;
	_ =	strace $0x80000048  }
0xb2: {  	_ =	swait.ge [sflag:s29], $0x1  }
0xb3: {  	[sflag:s29] =	ssyncadd.s32 $0xFFFFFFFF  }
0xb4: {  	_ =	strace $0x90000048  }
0xb5: {  	_ =	sfence  }
0xb6: {  	s30 =	sld [smem:$0x0];
	_ =	sdelay $0x2  }
0xb7: {  	s31 =	sshll.u32 s1, $0xD;
	s1 =	sshrl.u32 s1, $0x2  }
0xb8: {  	s3 =	sand.u32 $0x4000, s31;
	s1 =	sadd.s32 s1, s30  }
0xb9: {  	s0 =	sor.u32 s3, s0;
	s1 =	sshll.u32 s1, $0x11  }
0xba: {  	s0 =	sor.u32 s1, s0  }
0xbb: {  	s0 =	sadd.s32 $0x8F2B, s0  }
0xbc: {  	[sflag:s0] =	ssyncadd.remote.s32 $0x1  }
0xbd: {  	_ =	sfence.sel $0xFFFF  }
0xbe: {  	[dreg:$0x0] =	wrdreg $0xFFFFFFFF;
	(pc) =	sbr.abs _section_cstart, $3  }
0xbf: {  	[dreg:$0x1] =	wrdreg $0xFFFFFFFF  }
0xc0: {  	_ =	task.clear_ibuf [dreg:s6], $0x2FFFF;
	_ =	strace $0x9FFFFFFF  }
0xc1: {  	(tm) =	ssettm $0x7FFFFFFF  }
tec
execute0_lowered:
.L_overlay_start_1:
0x0: {  	(tag) =	ssettag $0x1  }
0x1: {  	s0 =	srdreg.scid  }
0x2: {  	s10 =	stileid.u32;
	s1 =	rddreg [dreg:$0x0]  }
0x3: {  	s2 =	simm.s32 $0x0;
	s14 =	simm.s32 $0x3A8;
	s15 =	simm.s32 $0xE880  }
0x4: {  	s16 =	simm.s32 $0x410;
	s17 =	simm.s32 $0x10180;
	s18 =	simm.s32 $0x478  }
0x5: {  	s19 =	simm.s32 $0x11A80;
	s20 =	simm.s32 $0x4E0;
	s21 =	simm.s32 $0x13380  }
0x6: {  	s22 =	simm.s32 $0x548;
	s23 =	simm.s32 $0x14C80;
	[smem:$0x7FF] =	sst s2  }
0x7: {  	s28 =	simm.s32 $0xB680;
	_ =	strace $0x80000047;
	[dreg:$0x3] =	wrdreg s14  }
0x8: {  	s29 =	simm.s32 $0x340;
	s30 =	simm.s32 $0xCF80;
	[dreg:$0x4] =	wrdreg s15  }
0x9: {  	s31 =	simm.s32 $0x17E80;
	s0 =	sand.u32 $0x1, s0;
	[dreg:$0x5] =	wrdreg s16  }
0xa: {  	s3 =	sshll.u32 s10, $0x1;
	s9 =	sadd.s32 $0x21C00, s1;
	[dreg:$0x6] =	wrdreg s17  }
0xb: {  	s25 =	smul.u32 $0x35200, s10;
	s4 =	sor.u32 s0, s3;
	[dreg:$0x7] =	wrdreg s18  }
0xc: {  	s3 =	sadd.s32 $0xF46000, s1;
	s8 =	ssub.s32 $0x2, s0;
	[dreg:$0x8] =	wrdreg s19  }
0xd: {  	s0 =	smul.u32 $0x1A900, s0;
	s14 =	simm.s32 $0xD0;
	[dreg:$0x9] =	wrdreg s20  }
0xe: {  	s15 =	simm.s32 $0x3980;
	s18 =	simm.s32 $0x138;
	[dreg:$0xa] =	wrdreg s21  }
0xf: {  	s19 =	simm.s32 $0x5280;
	[dreg:$0xb] =	wrdreg s22;
	s20 =	simm.s32 $0x1A0  }
0x10: {  	[dreg:$0xc] =	wrdreg s23;
	s21 =	simm.s32 $0x6B80;
	s22 =	simm.s32 $0x208  }
0x11: {  	s23 =	simm.s32 $0x8480;
	s5 =	smul.u32 $0x6E8, s4;
	s6 =	sshll.u32 s4, $0x5  }
0x12: {  	s7 =	sshll.u32 s4, $0xB;
	s4 =	smul.u32 $0x1A900, s4;
	s24 =	sshrl.u32 s8, $0x1  }
0x13: {  	s11 =	sadd.s32 s25, s9;
	s25 =	simm.s32 $0x16580;
	s6 =	sadd.s32 s6, s1  }
0x14: {  	s0 =	sadd.s32 s0, s11;
	[dreg:$0xe] =	wrdreg s25;
	s5 =	sadd.s32 s5, s1  }
0x15: {  	s1 =	sadd.s32 s7, s1;
	s6 =	sadd.s32 $0x11800, s6;
	[dreg:$0x2] =	wrdreg s0  }
0x16: {  	s7 =	ssub.s32 s8, s24;
	s24 =	simm.s32 $0x5B0;
	[dreg:$0x12] =	wrdreg s6  }
0x17: {  	s4 =	sadd.s32 s9, s4;
	s26 =	sadd.s32 $0x3A00, s5;
	[dreg:$0xd] =	wrdreg s24  }
0x18: {  	s11 =	simm.s32 $0x3;
	s4 =	sadd.s32 $0x19000, s4;
	[dreg:$0x10] =	wrdreg s26  }
0x19: {  	s25 =	simm.s32 $0x9D80;
	s10 =	sadd.s32 $0x11C00, s1;
	[dreg:$0x11] =	wrdreg s4  }
0x1a: {  	s8 =	simm.s32 $0x2080;
	s1 =	sadd.s32 $0x12000, s1;
	[dreg:$0x13] =	wrdreg s10  }
0x1b: {  	s0 =	simm.s32 $0x2;
	s12 =	smax.u32 s7, $0x1;
	[dreg:$0x14] =	wrdreg s1  }
0x1c: {  	s13 =	sadd.s32 $0x3AD0, s5;
	s6 =	simm.s32 $0x68;
	[dreg:$0x15] =	wrdreg s12  }
0x1d: {  	s24 =	simm.s32 $0x270;
	s5 =	simm.s32 $0x0;
	[dreg:$0x16] =	wrdreg s13  }
0x1e: {  	s12 =	simm.s32 $0x64;
	s13 =	simm.s32 $0x780;
	s26 =	simm.s32 $0x618  }
0x1f: {  	s1 =	simm.s32 $0x1;
	[dreg:$0xf] =	wrdreg s26;
	s26 =	simm.s32 $0x2D8  }
.LBB2_1:
0x20: {  	[dreg:$0x17] =	wrdreg s5  }
0x21: {  	s4 =	rddreg [dreg:$0x10]  }
0x22: {  	[tilespmem:s2], [sflag:$0x3] =	stream.linear.gather [hbm4b:s4+s2], $0x340, $0x38;
	[tilespmem:$0x19780] =	vst v63  }
0x23: {  	_ =	swait.ge [sflag:s11], $0x340  }
0x24: {  	[sflag:s11] =	ssyncset.done $0x0  }
0x25: {  	[sflag:s11] =	ssyncadd.s32 $0xFFFFFCC0  }
0x26: {  	[tilespmem:s13], [sflag:$0x1] =	stream.indirect.gather [hbm4b:s3+s12], $0x40, s2, s12, $0xb8;
	[tilespmem:$0x19780] =	vst v63  }
0x27: {  	_ = 	snop  }
0x28: {  	[tilespmem:s8], [sflag:$0x1] =	stream.indirect.gather [hbm4b:s3+s12], $0x40, s6, s12, $0xb8;
	[tilespmem:$0x19780] =	vst v63  }
0x29: {  	_ = 	snop  }
0x2a: {  	[tilespmem:s15], [sflag:$0x1] =	stream.indirect.gather [hbm4b:s3+s12], $0x40, s14, s12, $0xb8;
	[tilespmem:$0x19780] =	vst v63  }
0x2b: {  	_ = 	snop  }
0x2c: {  	[tilespmem:s19], [sflag:$0x1] =	stream.indirect.gather [hbm4b:s3+s12], $0x40, s18, s12, $0xb8;
	[tilespmem:$0x19780] =	vst v63  }
0x2d: {  	_ = 	snop  }
0x2e: {  	[tilespmem:s21], [sflag:$0x1] =	stream.indirect.gather [hbm4b:s3+s12], $0x40, s20, s12, $0xb8;
	[tilespmem:$0x19780] =	vst v63  }
0x2f: {  	_ = 	snop  }
0x30: {  	[tilespmem:s23], [sflag:$0x1] =	stream.indirect.gather [hbm4b:s3+s12], $0x40, s22, s12, $0xb8;
	[tilespmem:$0x19780] =	vst v63  }
0x31: {  	_ = 	snop  }
0x32: {  	[tilespmem:s25], [sflag:$0x1] =	stream.indirect.gather [hbm4b:s3+s12], $0x40, s24, s12, $0xb8;
	[tilespmem:$0x19780] =	vst v63  }
0x33: {  	s5 =	rddreg [dreg:$0x16]  }
0x34: {  	[tilespmem:s28], [sflag:$0x1] =	stream.indirect.gather [hbm4b:s3+s12], $0x40, s26, s12, $0xb8;
	[tilespmem:$0x19780] =	vst v63  }
0x35: {  	s16 =	sadd.s32 $0xFFFFFF98, s5  }
0x36: {  	[tilespmem:s29], [sflag:$0x3] =	stream.linear.gather [hbm4b:s16+s2], $0x340, $0x38;
	[tilespmem:$0x19780] =	vst v63  }
0x37: {  	_ =	swait.ge [sflag:s11], $0x340  }
0x38: {  	s17 =	rddreg [dreg:$0x5]  }
0x39: {  	s7 =	rddreg [dreg:$0x3]  }
0x3a: {  	[sflag:s11] =	ssyncset.done $0x0;
	s9 =	rddreg [dreg:$0x4]  }
0x3b: {  	s10 =	rddreg [dreg:$0x6];
	[sflag:s11] =	ssyncadd.s32 $0xFFFFFCC0  }
0x3c: {  	[tilespmem:s30], [sflag:$0x1] =	stream.indirect.gather [hbm4b:s3+s12], $0x40, s29, s12, $0xb8;
	[tilespmem:$0x19780] =	vst v63  }
0x3d: {  	s16 =	rddreg [dreg:$0x8]  }
0x3e: {  	[tilespmem:s9], [sflag:$0x1] =	stream.indirect.gather [hbm4b:s3+s12], $0x40, s7, s12, $0xb8;
	[tilespmem:$0x19780] =	vst v63  }
0x3f: {  	s9 =	rddreg [dreg:$0x7]  }
0x40: {  	[tilespmem:s10], [sflag:$0x1] =	stream.indirect.gather [hbm4b:s3+s12], $0x40, s17, s12, $0xb8;
	[tilespmem:$0x19780] =	vst v63  }
0x41: {  	s10 =	rddreg [dreg:$0xa]  }
0x42: {  	s17 =	rddreg [dreg:$0x9]  }
0x43: {  	[tilespmem:s16], [sflag:$0x1] =	stream.indirect.gather [hbm4b:s3+s12], $0x40, s9, s12, $0xb8;
	[tilespmem:$0x19780] =	vst v63  }
0x44: {  	s9 =	rddreg [dreg:$0xc]  }
0x45: {  	s16 =	rddreg [dreg:$0xb]  }
0x46: {  	[tilespmem:s10], [sflag:$0x1] =	stream.indirect.gather [hbm4b:s3+s12], $0x40, s17, s12, $0xb8;
	[tilespmem:$0x19780] =	vst v63  }
0x47: {  	s10 =	rddreg [dreg:$0xe]  }
0x48: {  	[tilespmem:s9], [sflag:$0x1] =	stream.indirect.gather [hbm4b:s3+s12], $0x40, s16, s12, $0xb8;
	[tilespmem:$0x19780] =	vst v63  }
0x49: {  	s17 =	rddreg [dreg:$0xd]  }
0x4a: {  	[tilespmem:s10], [sflag:$0x1] =	stream.indirect.gather [hbm4b:s3+s12], $0x40, s17, s12, $0xb8;
	[tilespmem:$0x19780] =	vst v63  }
0x4b: {  	s16 =	rddreg [dreg:$0xf]  }
0x4c: {  	[tilespmem:s31], [sflag:$0x1] =	stream.indirect.gather [hbm4b:s3+s12], $0x40, s16, s12, $0xb8;
	[tilespmem:$0x19780] =	vst v63  }
0x4d: {  	_ =	swait.ge [sflag:s1], $0xC800  }
0x4e: {  	s17 =	rddreg [dreg:$0x2];
	[sflag:s1] =	ssyncset.done $0x0  }
0x4f: {  	[sflag:s1] =	ssyncadd.s32 $0xFFFF3800;
	s9 =	sadd.s32 $0x0, s17  }
0x50: {  	[hbm4b:s9+s2] =	stream.linear.scatter [tilespmem:s13], [sflag:$0x2], $0xC800, $0x38;
	[tilespmem:$0x19780] =	vst v63  }
0x51: {  	_ =	swait.ge [sflag:s0], $0xC800  }
0x52: {  	[sflag:s0] =	ssyncset.done $0x0  }
0x53: {  	[sflag:s0] =	ssyncadd.s32 $0xFFFF3800  }
0x54: {  	[tilespmem:s2], [sflag:$0x3] =	stream.linear.gather [hbm4b:s5+s2], $0x340, $0x38;
	[tilespmem:$0x19780] =	vst v63  }
0x55: {  	_ =	swait.ge [sflag:s11], $0x340  }
0x56: {  	[sflag:s11] =	ssyncset.done $0x0  }
0x57: {  	[sflag:s11] =	ssyncadd.s32 $0xFFFFFCC0  }
0x58: {  	[tilespmem:s13], [sflag:$0x1] =	stream.indirect.gather [hbm4b:s3+s12], $0x40, s2, s12, $0xb8;
	[tilespmem:$0x19780] =	vst v63  }
0x59: {  	_ = 	snop  }
0x5a: {  	[tilespmem:s8], [sflag:$0x1] =	stream.indirect.gather [hbm4b:s3+s12], $0x40, s6, s12, $0xb8;
	[tilespmem:$0x19780] =	vst v63  }
0x5b: {  	_ = 	snop  }
0x5c: {  	[tilespmem:s15], [sflag:$0x1] =	stream.indirect.gather [hbm4b:s3+s12], $0x40, s14, s12, $0xb8;
	[tilespmem:$0x19780] =	vst v63  }
0x5d: {  	_ = 	snop  }
0x5e: {  	[tilespmem:s19], [sflag:$0x1] =	stream.indirect.gather [hbm4b:s3+s12], $0x40, s18, s12, $0xb8;
	[tilespmem:$0x19780] =	vst v63  }
0x5f: {  	_ = 	snop  }
0x60: {  	[tilespmem:s21], [sflag:$0x1] =	stream.indirect.gather [hbm4b:s3+s12], $0x40, s20, s12, $0xb8;
	[tilespmem:$0x19780] =	vst v63  }
0x61: {  	_ = 	snop  }
0x62: {  	[tilespmem:s23], [sflag:$0x1] =	stream.indirect.gather [hbm4b:s3+s12], $0x40, s22, s12, $0xb8;
	[tilespmem:$0x19780] =	vst v63  }
0x63: {  	_ = 	snop  }
0x64: {  	[tilespmem:s25], [sflag:$0x1] =	stream.indirect.gather [hbm4b:s3+s12], $0x40, s24, s12, $0xb8;
	[tilespmem:$0x19780] =	vst v63  }
0x65: {  	_ = 	snop  }
0x66: {  	[tilespmem:s28], [sflag:$0x1] =	stream.indirect.gather [hbm4b:s3+s12], $0x40, s26, s12, $0xb8;
	[tilespmem:$0x19780] =	vst v63  }
0x67: {  	s7 =	simm.s32 $0x3200;
	s10 =	smov.u32 s5;
	_ =	swait.ge [sflag:s1], $0xC800  }
.LBB2_2:
0x68: {  	[sflag:s1] =	ssyncset.done $0x0  }
0x69: {  	s9 =	sadd.s32 $0x1900, s9;
	[sflag:s1] =	ssyncadd.s32 $0xFFFF3800  }
0x6a: {  	[hbm4b:s9+s2] =	stream.linear.scatter [tilespmem:s30], [sflag:$0x2], $0xC800, $0x38;
	[tilespmem:$0x19780] =	vst v63  }
0x6b: {  	_ =	swait.ge [sflag:s0], $0xC800  }
0x6c: {  	s10 =	sadd.s32 $0xD0, s10;
	[sflag:s0] =	ssyncset.done $0x0  }
0x6d: {  	s15 =	sadd.s32 $0xFFFFFF98, s10;
	[sflag:s0] =	ssyncadd.s32 $0xFFFF3800  }
0x6e: {  	[tilespmem:s29], [sflag:$0x3] =	stream.linear.gather [hbm4b:s15+s2], $0x340, $0x38;
	[tilespmem:$0x19780] =	vst v63  }
0x6f: {  	_ =	swait.ge [sflag:s11], $0x340  }
0x70: {  	s9 =	rddreg [dreg:$0xe]  }
0x71: {  	s5 =	rddreg [dreg:$0xc]  }
0x72: {  	s8 =	rddreg [dreg:$0xa]  }
0x73: {  	s6 =	rddreg [dreg:$0x7]  }
0x74: {  	[sflag:s11] =	ssyncset.done $0x0;
	s14 =	rddreg [dreg:$0x5]  }
0x75: {  	s15 =	rddreg [dreg:$0x3];
	[sflag:s11] =	ssyncadd.s32 $0xFFFFFCC0  }
0x76: {  	[tilespmem:s30], [sflag:$0x1] =	stream.indirect.gather [hbm4b:s3+s12], $0x40, s29, s12, $0xb8;
	[tilespmem:$0x19780] =	vst v63  }
0x77: {  	s16 =	rddreg [dreg:$0x4]  }
0x78: {  	[tilespmem:s16], [sflag:$0x1] =	stream.indirect.gather [hbm4b:s3+s12], $0x40, s15, s12, $0xb8;
	[tilespmem:$0x19780] =	vst v63  }
0x79: {  	s17 =	rddreg [dreg:$0x6]  }
0x7a: {  	[tilespmem:s17], [sflag:$0x1] =	stream.indirect.gather [hbm4b:s3+s12], $0x40, s14, s12, $0xb8;
	[tilespmem:$0x19780] =	vst v63  }
0x7b: {  	s16 =	rddreg [dreg:$0x8]  }
0x7c: {  	[tilespmem:s16], [sflag:$0x1] =	stream.indirect.gather [hbm4b:s3+s12], $0x40, s6, s12, $0xb8;
	[tilespmem:$0x19780] =	vst v63  }
0x7d: {  	s17 =	rddreg [dreg:$0x9]  }
0x7e: {  	[tilespmem:s8], [sflag:$0x1] =	stream.indirect.gather [hbm4b:s3+s12], $0x40, s17, s12, $0xb8;
	[tilespmem:$0x19780] =	vst v63  }
0x7f: {  	s16 =	rddreg [dreg:$0xb]  }
0x80: {  	[tilespmem:s5], [sflag:$0x1] =	stream.indirect.gather [hbm4b:s3+s12], $0x40, s16, s12, $0xb8;
	[tilespmem:$0x19780] =	vst v63  }
0x81: {  	s17 =	rddreg [dreg:$0xd]  }
0x82: {  	[tilespmem:s9], [sflag:$0x1] =	stream.indirect.gather [hbm4b:s3+s12], $0x40, s17, s12, $0xb8;
	[tilespmem:$0x19780] =	vst v63  }
0x83: {  	s16 =	rddreg [dreg:$0xf]  }
0x84: {  	[tilespmem:s31], [sflag:$0x1] =	stream.indirect.gather [hbm4b:s3+s12], $0x40, s16, s12, $0xb8;
	[tilespmem:$0x19780] =	vst v63  }
0x85: {  	_ =	swait.ge [sflag:s1], $0xC800  }
0x86: {  	s4 =	smov.u32 s7;
	s17 =	rddreg [dreg:$0x2];
	[sflag:s1] =	ssyncset.done $0x0  }
0x87: {  	[sflag:s1] =	ssyncadd.s32 $0xFFFF3800;
	s9 =	sadd.s32 s4, s17  }
0x88: {  	[hbm4b:s9+s2] =	stream.linear.scatter [tilespmem:s13], [sflag:$0x2], $0xC800, $0x38;
	[tilespmem:$0x19780] =	vst v63  }
0x89: {  	_ =	swait.ge [sflag:s0], $0xC800  }
0x8a: {  	[sflag:s0] =	ssyncset.done $0x0  }
0x8b: {  	[sflag:s0] =	ssyncadd.s32 $0xFFFF3800  }
0x8c: {  	[tilespmem:s2], [sflag:$0x3] =	stream.linear.gather [hbm4b:s10+s2], $0x340, $0x38;
	[tilespmem:$0x19780] =	vst v63  }
0x8d: {  	_ =	swait.ge [sflag:s11], $0x340  }
0x8e: {  	[sflag:s11] =	ssyncset.done $0x0  }
0x8f: {  	[sflag:s11] =	ssyncadd.s32 $0xFFFFFCC0  }
0x90: {  	[tilespmem:s13], [sflag:$0x1] =	stream.indirect.gather [hbm4b:s3+s12], $0x40, s2, s12, $0xb8;
	[tilespmem:$0x19780] =	vst v63  }
0x91: {  	s6 =	simm.s32 $0x68;
	s8 =	simm.s32 $0x2080  }
0x92: {  	[tilespmem:s8], [sflag:$0x1] =	stream.indirect.gather [hbm4b:s3+s12], $0x40, s6, s12, $0xb8;
	[tilespmem:$0x19780] =	vst v63  }
0x93: {  	s15 =	simm.s32 $0x3980;
	s14 =	simm.s32 $0xD0  }
0x94: {  	[tilespmem:s15], [sflag:$0x1] =	stream.indirect.gather [hbm4b:s3+s12], $0x40, s14, s12, $0xb8;
	[tilespmem:$0x19780] =	vst v63  }
0x95: {  	_ = 	snop  }
0x96: {  	[tilespmem:s19], [sflag:$0x1] =	stream.indirect.gather [hbm4b:s3+s12], $0x40, s18, s12, $0xb8;
	[tilespmem:$0x19780] =	vst v63  }
0x97: {  	_ = 	snop  }
0x98: {  	[tilespmem:s21], [sflag:$0x1] =	stream.indirect.gather [hbm4b:s3+s12], $0x40, s20, s12, $0xb8;
	[tilespmem:$0x19780] =	vst v63  }
0x99: {  	p0 =	sne.s32 s7, $0x15E00  }
0x9a: {  	[tilespmem:s23], [sflag:$0x1] =	stream.indirect.gather [hbm4b:s3+s12], $0x40, s22, s12, $0xb8;
	[tilespmem:$0x19780] =	vst v63  }
.Ltmp0:
0x9b: {  	_ = 	snop;
	(pc) =	sbr.rel @p0 .LBB2_2-.Ltmp0, $4  }
0x9c: {  	[tilespmem:s25], [sflag:$0x1] =	stream.indirect.gather [hbm4b:s3+s12], $0x40, s24, s12, $0xb8;
	[tilespmem:$0x19780] =	vst v63  }
0x9d: {  	_ = 	snop  }
0x9e: {  	[tilespmem:s28], [sflag:$0x1] =	stream.indirect.gather [hbm4b:s3+s12], $0x40, s26, s12, $0xb8;
	[tilespmem:$0x19780] =	vst v63  }
0x9f: {  	s7 =	sadd.s32 $0x3200, s7;
	_ =	swait.ge [sflag:s1], $0xC800  }
0xa0: {  	[sflag:s1] =	ssyncset.done $0x0  }
0xa1: {  	s4 =	sadd.s32 $0x1900, s9;
	[sflag:s1] =	ssyncadd.s32 $0xFFFF3800  }
0xa2: {  	[hbm4b:s4+s2] =	stream.linear.scatter [tilespmem:s30], [sflag:$0x2], $0xC800, $0x38;
	[tilespmem:$0x19780] =	vst v63  }
0xa3: {  	_ =	swait.ge [sflag:s0], $0xC800  }
0xa4: {  	[sflag:s0] =	ssyncset.done $0x0  }
0xa5: {  	[sflag:s0] =	ssyncadd.s32 $0xFFFF3800  }
0xa6: {  	_ =	swait.ge [sflag:s1], $0xC800  }
0xa7: {  	[sflag:s1] =	ssyncset.done $0x0  }
0xa8: {  	s16 =	rddreg [dreg:$0x11];
	[sflag:s1] =	ssyncadd.s32 $0xFFFF3800  }
0xa9: {  	[hbm4b:s16+s2] =	stream.linear.scatter [tilespmem:s13], [sflag:$0x2], $0xC800, $0x38;
	[tilespmem:$0x19780] =	vst v63  }
0xaa: {  	s5 =	simm.s32 $0x680;
	s17 =	rddreg [dreg:$0x12]  }
0xab: {  	[tilespmem:s5], [sflag:$0x3] =	stream.linear.gather [hbm4b:s17+s2], $0x100, $0x38;
	[tilespmem:$0x19780] =	vst v63  }
0xac: {  	_ =	swait.ge [sflag:s11], $0x100  }
0xad: {  	[sflag:s11] =	ssyncset.done $0x0  }
0xae: {  	s7 =	simm.s32 $0x80;
	[sflag:s11] =	ssyncadd.s32 $0xFFFFFF00  }
0xaf: {  	[tilespmem:s30], [sflag:$0x1] =	stream.indirect.gather [hbm4b:s3+s7], $0x40, s5, s7, $0xb8;
	[tilespmem:$0x19780] =	vst v63  }
0xb0: {  	_ =	swait.ge [sflag:s1], $0x2000  }
0xb1: {  	[sflag:s1] =	ssyncset.done $0x0  }
0xb2: {  	s5 =	rddreg [dreg:$0x13];
	[sflag:s1] =	ssyncadd.s32 $0xFFFFE000  }
0xb3: {  	[hbm4b:s5+s2] =	stream.linear.scatter [tilespmem:s30], [sflag:$0x3], $0x2000, $0x38;
	[tilespmem:$0x19780] =	vst v63  }
0xb4: {  	_ =	swait.ge [sflag:s11], $0x2000  }
0xb5: {  	[sflag:s11] =	ssyncset.done $0x0  }
0xb6: {  	s9 =	simm.s32 $0x700;
	[sflag:s11] =	ssyncadd.s32 $0xFFFFE000  }
0xb7: {  	[tilespmem:s30], [sflag:$0x1] =	stream.indirect.gather [hbm4b:s3+s7], $0x40, s9, s7, $0xb8;
	[tilespmem:$0x19780] =	vst v63  }
0xb8: {  	_ =	swait.ge [sflag:s1], $0x2000  }
0xb9: {  	[sflag:s1] =	ssyncset.done $0x0  }
0xba: {  	s10 =	rddreg [dreg:$0x14];
	[sflag:s1] =	ssyncadd.s32 $0xFFFFE000  }
0xbb: {  	[hbm4b:s10+s2] =	stream.linear.scatter [tilespmem:s30], [sflag:$0x3], $0x2000, $0x38;
	[tilespmem:$0x19780] =	vst v63  }
0xbc: {  	_ =	swait.ge [sflag:s11], $0x2000  }
0xbd: {  	[sflag:s11] =	ssyncset.done $0x0  }
0xbe: {  	[sflag:s11] =	ssyncadd.s32 $0xFFFFE000  }
0xbf: {  	_ =	swait.ge [sflag:s0], $0xC800  }
0xc0: {  	s16 =	rddreg [dreg:$0x17]  }
0xc1: {  	s17 =	rddreg [dreg:$0x15];
	s5 =	sadd.s32 $0x1, s16  }
0xc2: {  	p0 =	sne.s32 s5, s17  }
.Ltmp1:
0xc3: {  	_ = 	snop;
	(pc) =	sbr.rel @p0 .LBB2_1-.Ltmp1, $3  }
0xc4: {  	_ =	sdelay $0x1  }
0xc5: {  	[sflag:s0] =	ssyncset.done $0x0  }
0xc6: {  	[sflag:s0] =	ssyncadd.s32 $0xFFFF3800  }
0xc7: {  	_ =	sfence.sel $0x180000  }
0xc8: {  	[bflag:$0x0] =	sbarrier.arrive $0xFFFF  }
0xc9: {  	_ =	strace $0x90000047  }
0xca: {  	s0 =	stileid.u32;
	[bflag:$0x2] =	sbarrier.arrive $0xFFFF  }
0xcb: {  	p0 =	sne.s32 s0, $0x0;
	s0 =	rddreg [dreg:$0x1]  }
0xcc: {  	s0 =	sadd.s32 @!p0 $0x100000, s0  }
0xcd: {  	[sflag:s0] =	ssyncadd.tile.s32 @!p0 $0x1;
	_ =	shalt  }
.Lfunc_end2:
_tile_overlayer_lowered:
.L_overlay_start_2:
0xce: {  	(tag) =	ssettag $0x2  }
0xcf: {  	s0 =	rddreg [dreg:$0x0];
	s2 =	stileid.u32  }
0xd0: {  	s1 =	rddreg [dreg:$0x1];
	p0 =	sne.s32 s2, $0x0  }
0xd1: {  	s3 =	rddreg [dreg:$0x2];
	[bflag:$0x3] =	sbarrier.arrive $0xFFFF;
	s2 =	simm.s32 @!p0 $0x1C03  }
0xd2: {  	[timem:s3], [sflag:s2] =	dma.local @!p0 [hbm:s0], s1  }
0xd3: {  	s0 =	simm.s32 @!p0 $0x3  }
0xd4: {  	_ =	swait.ge @!p0 [sflag:s0], s1  }
0xd5: {  	s1 =	ssub.s32 @!p0 $0x0, s1;
	[sflag:s0] =	ssyncset.done @!p0 $0x0  }
0xd6: {  	[sflag:s0] =	ssyncadd.s32 @!p0 s1  }
0xd7: {  	[bflag:$0x3] =	sbarrier.arrive $0xFFFF  }
0xd8: {  	_ =	shalt  }

</sc_bundles>
